<compile_context>
chip_gen: v7x
topology: tpu7x:2x2x1
jax: 0.10.2.dev20260603
libtpu: 0.0.44.dev20260713+nightly
codegen_flags: <defaults>
</compile_context>

<pallas_src>
import functools
import math

import jax
import jax.numpy as jnp
import numpy as np
from jax import lax
from jax.experimental import pallas as pl
from jax.experimental.pallas import tpu as pltpu
from jax.experimental.pallas import tpu_sc as plsc

_B, _L, _H, _D = 4, 2048, 16, 64
_U = 5 * int(np.ceil(np.log(_L)))
_TQ = 256
_CK = 256
_NEG = -1e30


def _rotl32(x, d):
    d = np.uint32(d)
    return ((x << d) | (x >> (np.uint32(32) - d))).astype(np.uint32)


def _threefry2x32(k0, k1, x0, x1):
    rot = [np.uint32(r) for r in (13, 15, 26, 6, 17, 29, 16, 24)]
    ks0, ks1 = np.uint32(k0), np.uint32(k1)
    ks2 = np.uint32(ks0 ^ ks1 ^ np.uint32(0x1BD11BDA))
    x0 = (x0 + ks0).astype(np.uint32)
    x1 = (x1 + ks1).astype(np.uint32)
    inject = [(ks1, ks2), (ks2, ks0), (ks0, ks1), (ks1, ks2), (ks2, ks0)]
    rounds = [rot[:4], rot[4:], rot[:4], rot[4:], rot[:4]]
    for r in range(5):
        for d in rounds[r]:
            x0 = (x0 + x1).astype(np.uint32)
            x1 = (_rotl32(x1, d) ^ x0).astype(np.uint32)
        a, b = inject[r]
        x0 = (x0 + a).astype(np.uint32)
        x1 = (x1 + b + np.uint32(r + 1)).astype(np.uint32)
    return x0, x1


def _np_random_bits(k0, k1, n):
    b1, b2 = _threefry2x32(
        k0, k1, np.zeros(n, np.uint32), np.arange(n, dtype=np.uint32)
    )
    return b1 ^ b2


def _np_randint(seed, shape, lo, hi):
    o0, o1 = _threefry2x32(
        0, seed, np.zeros(2, np.uint32), np.arange(2, dtype=np.uint32)
    )
    n = int(np.prod(shape))
    hb = _np_random_bits(o0[0], o1[0], n)
    lb = _np_random_bits(o0[1], o1[1], n)
    span = int(hi - lo)
    mult = np.uint32(pow(65536 % span, 2, span))
    val = ((hb % np.uint32(span)) * mult + (lb % np.uint32(span))) % np.uint32(span)
    return (np.int32(lo) + val.astype(np.int32)).reshape(shape)


def _count_matrix_T() -> np.ndarray:
    idx = _np_randint(1234, (_L, _U), 0, _L)
    c = np.zeros((_L, _L), dtype=np.float32)
    np.add.at(c, (np.arange(_L)[:, None], idx), 1.0)
    return np.ascontiguousarray(c.T)


_C_T_HOST = _count_matrix_T()
_A_T_HOST = np.where(_C_T_HOST > 0, np.float32(0.0), np.float32(_NEG))


def _p1_stats(c_ref, a_ref, q_ref, k_ref, m_ref):
    def qb_body(qi, _):
        c = c_ref[:, pl.ds(qi * _TQ, _TQ)]
        a = a_ref[:, pl.ds(qi * _TQ, _TQ)]
        for h in range(2):
            q_blk = q_ref[pl.ds(qi * _TQ, _TQ), h * _D:(h + 1) * _D]
            kh = k_ref[:, h * _D:(h + 1) * _D]
            st = jax.lax.dot_general(
                kh, q_blk, (((1,), (1,)), ((), ())),
                preferred_element_type=jnp.float32,
            )
            stm = st + a
            mx = jnp.max(stm, axis=0, keepdims=True)
            sm = jnp.sum(c * stm, axis=0, keepdims=True)
            m_ref[pl.ds(h, 1), pl.ds(qi * _TQ, _TQ)] = mx - sm * (1.0 / _L)
        return 0

    jax.lax.fori_loop(0, _L // _TQ, qb_body, 0)


def _p2_topk(m_ref, sel_ref, idx_ref):
    m = m_ref[:, :, :].reshape(_B * _H, _L)
    qiota = jax.lax.broadcasted_iota(jnp.int32, (_B * _H, _L), 1)

    def top_body(i, carry):
        m, sel = carry
        mx = jnp.max(m, axis=1, keepdims=True)
        cand = jnp.where(m == mx, qiota, jnp.int32(_L))
        amin = jnp.min(cand, axis=1, keepdims=True)
        idx_ref[pl.ds(i, 1), :] = amin.reshape(1, _B * _H)
        hit = qiota == amin
        sel = jnp.where(hit, i, sel)
        m = jnp.where(hit, _NEG, m)
        return m, sel

    _, sel = jax.lax.fori_loop(
        0, _U, top_body,
        (m, jnp.full((_B * _H, _L), -1, jnp.int32)),
    )
    sel_ref[:, :, :] = sel.reshape(_B * _H // 2, 2, _L)


def _sc_gather_qrows():
    info = plsc.get_sparse_core_info()
    nc, ns = info.num_cores, info.num_subcores
    nrows = _B * _H * _U
    b_per_w = nrows // (nc * ns)
    mesh = plsc.VectorSubcoreMesh(core_axis_name="c", subcore_axis_name="s")

    @functools.partial(
        pl.kernel, mesh=mesh,
        out_type=jax.ShapeDtypeStruct((nrows, 2 * _D), jnp.float32),
        scratch_types=[
            pltpu.VMEM((b_per_w,), jnp.int32),
            pltpu.VMEM((b_per_w, 2 * _D), jnp.float32),
            pltpu.SemaphoreType.DMA,
        ],
    )
    def gather(table_hbm, idx_hbm, out_hbm, idx_v, rows_v, sem):
        wid = lax.axis_index("s") * nc + lax.axis_index("c")
        base = wid * b_per_w
        pltpu.sync_copy(idx_hbm.at[pl.ds(base, b_per_w)], idx_v)
        pltpu.async_copy(table_hbm.at[idx_v], rows_v, sem).wait()
        pltpu.sync_copy(rows_v, out_hbm.at[pl.ds(base, b_per_w)])

    return gather


def _p3_attend(sel_ref, qred_ref, k_ref, v_ref, o_ref):
    scale = 1.0 / math.sqrt(_D)
    pk = k_ref[:, :]
    pv = v_ref[:, :]
    riota = jax.lax.broadcasted_iota(jnp.int32, (_U, _L), 0)

    for h in range(2):
        kh = pk[:, h * _D:(h + 1) * _D]
        vh = pv[:, h * _D:(h + 1) * _D]
        sel = sel_ref[pl.ds(h, 1), :]
        onehot = (riota == sel).astype(jnp.float32)

        q_red = qred_ref[h, :, h * _D:(h + 1) * _D]
        scores = jax.lax.dot_general(
            q_red, kh, (((1,), (1,)), ((), ())),
            preferred_element_type=jnp.float32,
        ) * scale
        smax = jnp.max(scores, axis=1, keepdims=True)
        e = jnp.exp(scores - smax)
        attn = e / jnp.sum(e, axis=1, keepdims=True)
        upd = jax.lax.dot_general(
            attn, vh, (((1,), (0,)), ((), ())),
            preferred_element_type=jnp.float32,
        )

        vmean = jnp.mean(vh, axis=0, keepdims=True)
        ctx = jax.lax.dot_general(
            onehot, upd - vmean, (((0,), (0,)), ((), ())),
            preferred_element_type=jnp.float32,
        ) + vmean
        o_ref[pl.ds(h, 1), :, :] = ctx[None, :, :]


def kernel(queries, keys, values, attn_mask):
    del attn_mask
    B, L, H, D = queries.shape
    BH = B * H
    NP = BH // 2
    qf = queries.reshape(B, L, H * D)
    kf = keys.reshape(B, L, H * D)
    vf = values.reshape(B, L, H * D)
    c_t = jnp.asarray(_C_T_HOST)
    a_t = jnp.asarray(_A_T_HOST)

    pair_spec = pl.BlockSpec(
        (None, _L, 2 * _D), lambda i: (i // (_H // 2), 0, i % (_H // 2))
    )

    m = pl.pallas_call(
        _p1_stats,
        grid=(NP,),
        in_specs=[
            pl.BlockSpec((_L, _L), lambda i: (0, 0)),
            pl.BlockSpec((_L, _L), lambda i: (0, 0)),
            pair_spec,
            pair_spec,
        ],
        out_specs=pl.BlockSpec((None, 2, _L), lambda i: (i, 0, 0)),
        out_shape=jax.ShapeDtypeStruct((NP, 2, _L), jnp.float32),
        compiler_params=pltpu.CompilerParams(
            dimension_semantics=("arbitrary",),
        ),
    )(c_t, a_t, qf, kf)

    sel, idx = pl.pallas_call(
        _p2_topk,
        in_specs=[pl.BlockSpec((NP, 2, _L), lambda: (0, 0, 0))],
        out_specs=(
            pl.BlockSpec((NP, 2, _L), lambda: (0, 0, 0)),
            pl.BlockSpec((_U, BH), lambda: (0, 0)),
        ),
        out_shape=(
            jax.ShapeDtypeStruct((NP, 2, _L), jnp.int32),
            jax.ShapeDtypeStruct((_U, BH), jnp.int32),
        ),
    )(m)

    heads = jnp.arange(BH, dtype=jnp.int32)
    hb, hh = heads // H, heads % H
    idx_flat = (
        (hb[:, None] * L + idx.T) * (H // 2) + hh[:, None] // 2
    ).reshape(BH * _U)

    qred = _sc_gather_qrows()(qf.reshape(B * L * (H // 2), 2 * D), idx_flat)
    qred = qred.reshape(NP, 2, _U, 2 * _D)

    out = pl.pallas_call(
        _p3_attend,
        grid=(NP,),
        in_specs=[
            pl.BlockSpec((None, 2, _L), lambda i: (i, 0, 0)),
            pl.BlockSpec((None, 2, _U, 2 * _D), lambda i: (i, 0, 0, 0)),
            pair_spec,
            pair_spec,
        ],
        out_specs=pl.BlockSpec((2, _L, _D), lambda i: (i, 0, 0)),
        out_shape=jax.ShapeDtypeStruct((BH, L, D), jnp.float32),
        compiler_params=pltpu.CompilerParams(
            dimension_semantics=("arbitrary",),
        ),
    )(sel, qred, kf, vf)
    return out.reshape(B, H, L, D)

# --- scband reference (transcript-rebuilt; emitter-appended) ---
"""Pipeline reference for scband-prob-attention-10144712753264 (READ-ONLY COPY).

The authoritative reference and input builder live on the scoring server;
editing this copy changes nothing except your own understanding.
"""

import jax, jax.numpy as jnp
import numpy as np
import math


def setup_inputs(seed: int = 0) -> dict:
    key = jax.random.key(seed)
    k1, k2, k3 = jax.random.split(key, 3)
    B, L, H, D = 4, 2048, 16, 64
    queries = jax.random.normal(k1, (B, L, H, D), dtype=jnp.float32)
    keys = jax.random.normal(k2, (B, L, H, D), dtype=jnp.float32)
    values = jax.random.normal(k3, (B, L, H, D), dtype=jnp.float32)
    attn_mask = jnp.zeros((1,), dtype=bool)
    return {"queries": queries, "keys": keys, "values": values, "attn_mask": attn_mask}


def reference(queries, keys, values, attn_mask):
    # ProbAttention (Informer) forward with mask_flag=False, scale=None, output_attention=False.
    factor = 5
    B, L_Q, H, D = queries.shape
    L_K = keys.shape[1]
    Q = jnp.transpose(queries, (0, 2, 1, 3))  # [B,H,L_Q,D]
    K = jnp.transpose(keys, (0, 2, 1, 3))     # [B,H,L_K,D]
    V = jnp.transpose(values, (0, 2, 1, 3))   # [B,H,L_K,D]

    U_part = factor * int(np.ceil(np.log(L_K)))
    u = factor * int(np.ceil(np.log(L_Q)))
    U_part = min(U_part, L_K)
    u = min(u, L_Q)

    # _prob_QK: sample U_part keys per query
    idx_key = jax.random.key(1234)
    index_sample = jax.random.randint(idx_key, (L_Q, U_part), 0, L_K)  # int32 [L_Q, U_part]
    # gather sampled keys: [B,H,L_Q,U_part,E]
    K_sample = K[:, :, index_sample, :]
    # Q_K_sample: [B,H,L_Q,U_part]
    Q_K_sample = jnp.squeeze(
        jnp.matmul(Q[:, :, :, None, :], jnp.swapaxes(K_sample, -2, -1)), axis=-2
    )
    # sparsity measurement M: [B,H,L_Q]
    M = Q_K_sample.max(axis=-1) - Q_K_sample.sum(axis=-1) / L_K
    _, M_top = jax.lax.top_k(M, u)  # [B,H,u]
    # reduced Q: [B,H,u,E]
    Q_reduce = jnp.take_along_axis(Q, M_top[..., None], axis=2)
    # full scores for selected queries: [B,H,u,L_K]
    scores_top = jnp.matmul(Q_reduce, jnp.swapaxes(K, -2, -1))

    scale = 1.0 / math.sqrt(D)
    scores_top = scores_top * scale

    # _get_initial_context (mask_flag=False): mean of V broadcast
    V_sum = V.mean(axis=-2)  # [B,H,D]
    context = jnp.broadcast_to(V_sum[:, :, None, :], (B, H, L_Q, V_sum.shape[-1]))

    # _update_context: overwrite selected query rows with attention output
    attn = jax.nn.softmax(scores_top, axis=-1)  # [B,H,u,L_K]
    upd = jnp.matmul(attn, V)  # [B,H,u,D]
    bidx = jnp.arange(B)[:, None, None]
    hidx = jnp.arange(H)[None, :, None]
    context = context.at[bidx, hidx, M_top, :].set(upd)
    return context

if __name__ == "__main__":
    import jax
    _d = setup_inputs()
    print(jax.jit(kernel)(*tuple(_d.values())))

</pallas_src>

<mosaic_0001>
#map = affine_map<(d0, d1) -> (0, 0)>
#map1 = affine_map<(d0, d1) -> (0)>
module attributes {stable_mosaic.version = 14 : i64} {
  func.func @gather(%arg0: i32, %arg1: i32, %arg2: memref<65536x128xf32, #tpu.memory_space<hbm>>, %arg3: memref<2560xi32, #tpu.memory_space<hbm>>, %arg4: memref<2560x128xf32, #tpu.memory_space<hbm>>, %arg5: memref<80xi32, #tpu.memory_space<vmem>>, %arg6: memref<80x128xf32, #tpu.memory_space<vmem>>, %arg7: memref<!tpu.dma_semaphore, #tpu.memory_space<semaphore_mem>>) attributes {dimension_semantics = [#tpu.dimension_semantics<core_parallel>, #tpu.dimension_semantics<subcore_parallel>], iteration_bounds = array<i64: 2, 16>, scalar_prefetch = 0 : i64, scratch_operands = 3 : i64, tpu.core_type = #tpu.core_type<sc_vector_subcore>, window_params = [{transform_indices = #map}, {transform_indices = #map1}, {transform_indices = #map}]} {
    %mul3A = arith.constant 2 : i32
    %mul3A_0 = arith.muli %arg1, %mul3A : i32
    %add3A = arith.addi %mul3A_0, %arg0 : i32
    %mul3A_1 = arith.constant 80 : i32
    %mul3A_2 = arith.muli %add3A, %mul3A_1 : i32
    "tpu.region"() ({
      %run_scoped3A = tpu.sem_alloc : memref<!tpu.dma_semaphore, #tpu.memory_space<semaphore_mem>>
      %dma_start3A_7 = tpu.memref_slice %arg3[%mul3A_2] : memref<2560xi32, #tpu.memory_space<hbm>> -> memref<80xi32, #tpu.memory_space<hbm>>
      %dma_start3A_8 = tpu.memref_slice %arg3[%mul3A_2] : memref<2560xi32, #tpu.memory_space<hbm>> -> memref<80xi32, #tpu.memory_space<hbm>>
      tpu.enqueue_dma source(%dma_start3A_8 : memref<80xi32, #tpu.memory_space<hbm>>) target(%arg5 : memref<80xi32, #tpu.memory_space<vmem>>) target_semaphore(%run_scoped3A : memref<!tpu.dma_semaphore, #tpu.memory_space<semaphore_mem>>)
      %dma_wait3A_9 = tpu.memref_slice %arg3[%mul3A_2] : memref<2560xi32, #tpu.memory_space<hbm>> -> memref<80xi32, #tpu.memory_space<hbm>>
      %dma_wait3A_10 = tpu.memref_slice %arg3[%mul3A_2] : memref<2560xi32, #tpu.memory_space<hbm>> -> memref<80xi32, #tpu.memory_space<hbm>>
      tpu.wait_dma2 semaphore(%run_scoped3A : memref<!tpu.dma_semaphore, #tpu.memory_space<semaphore_mem>>) src(%dma_wait3A_10 : memref<80xi32, #tpu.memory_space<hbm>>) dst(%arg5 : memref<80xi32, #tpu.memory_space<vmem>>)
      tpu.yield
    }) : () -> ()
    %dma_start3A = arith.constant 0 : i32
    %dma_start3A_3 = arith.constant 0 : i32
    %dma_start3A_4 = tpu.memref_slice %arg2[%dma_start3A, %dma_start3A_3] : memref<65536x128xf32, #tpu.memory_space<hbm>> -> memref<65536x128xf32, #tpu.memory_space<hbm>>
    tpu.enqueue_indirect_dma source(%dma_start3A_4 : memref<65536x128xf32, #tpu.memory_space<hbm>>) target(%arg6 : memref<80x128xf32, #tpu.memory_space<vmem>>) offsets(%arg5 : memref<80xi32, #tpu.memory_space<vmem>>) semaphore(%arg7 : memref<!tpu.dma_semaphore, #tpu.memory_space<semaphore_mem>>)
    %dma_wait3A = arith.constant 0 : i32
    %dma_wait3A_5 = arith.constant 0 : i32
    %dma_wait3A_6 = tpu.memref_slice %arg2[%dma_wait3A, %dma_wait3A_5] : memref<65536x128xf32, #tpu.memory_space<hbm>> -> memref<65536x128xf32, #tpu.memory_space<hbm>>
    tpu.wait_indirect_dma semaphore(%arg7 : memref<!tpu.dma_semaphore, #tpu.memory_space<semaphore_mem>>) src(%dma_wait3A_6 : memref<65536x128xf32, #tpu.memory_space<hbm>>) dst(%arg6 : memref<80x128xf32, #tpu.memory_space<vmem>>)
    "tpu.region"() ({
      %run_scoped3A = tpu.sem_alloc : memref<!tpu.dma_semaphore, #tpu.memory_space<semaphore_mem>>
      %dma_start3A_7 = arith.constant 0 : i32
      %dma_start3A_8 = tpu.memref_slice %arg4[%mul3A_2, %dma_start3A_7] : memref<2560x128xf32, #tpu.memory_space<hbm>> -> memref<80x128xf32, #tpu.memory_space<hbm>>
      %dma_start3A_9 = arith.constant 0 : i32
      %dma_start3A_10 = tpu.memref_slice %arg4[%mul3A_2, %dma_start3A_9] : memref<2560x128xf32, #tpu.memory_space<hbm>> -> memref<80x128xf32, #tpu.memory_space<hbm>>
      tpu.enqueue_dma source(%arg6 : memref<80x128xf32, #tpu.memory_space<vmem>>) target(%dma_start3A_10 : memref<80x128xf32, #tpu.memory_space<hbm>>) target_semaphore(%run_scoped3A : memref<!tpu.dma_semaphore, #tpu.memory_space<semaphore_mem>>)
      %dma_wait3A_11 = arith.constant 0 : i32
      %dma_wait3A_12 = tpu.memref_slice %arg4[%mul3A_2, %dma_wait3A_11] : memref<2560x128xf32, #tpu.memory_space<hbm>> -> memref<80x128xf32, #tpu.memory_space<hbm>>
      %dma_wait3A_13 = arith.constant 0 : i32
      %dma_wait3A_14 = tpu.memref_slice %arg4[%mul3A_2, %dma_wait3A_13] : memref<2560x128xf32, #tpu.memory_space<hbm>> -> memref<80x128xf32, #tpu.memory_space<hbm>>
      tpu.wait_dma2 semaphore(%run_scoped3A : memref<!tpu.dma_semaphore, #tpu.memory_space<semaphore_mem>>) src(%arg6 : memref<80x128xf32, #tpu.memory_space<vmem>>) dst(%dma_wait3A_14 : memref<80x128xf32, #tpu.memory_space<hbm>>)
      tpu.yield
    }) : () -> ()
    return
  }
}

module attributes {stable_mosaic.version = 14 : i64} {
  func.func @_p2_topk(%arg0: memref<32x2x2048xf32, #tpu.memory_space<vmem>>, %arg1: memref<32x2x2048xi32, #tpu.memory_space<vmem>>, %arg2: memref<40x64xi32, #tpu.memory_space<vmem>>) attributes {dimension_semantics = [], scalar_prefetch = 0 : i64, scratch_operands = 0 : i64, tpu.core_type = #tpu.core_type<tc>} {
    %get3A = arith.constant 0 : index
    %get3A_0 = arith.constant 0 : index
    %get3A_1 = arith.constant 0 : index
    %get3A_2 = vector.load %arg0[%get3A, %get3A_0, %get3A_1] : memref<32x2x2048xf32, #tpu.memory_space<vmem>>, vector<32x2x2048xf32>
    %reshape3A = vector.shape_cast %get3A_2 : vector<32x2x2048xf32> to vector<64x2048xf32>
    %iota3A = tpu.iota {dimensions = array<i32: 1>} : vector<64x2048xi32>
    %broadcast_in_dim3A = arith.constant -1 : i32
    %broadcast_in_dim3A_3 = vector.broadcast %broadcast_in_dim3A : i32 to vector<64x2048xi32>
    %scan3A = arith.constant 0 : i32
    %scan3A_4 = arith.constant 40 : i32
    %scan3A_5 = arith.addi %scan3A, %scan3A_4 : i32
    %scan3A_6 = arith.constant 1 : i32
    %scan3A_7:2 = scf.for %scan3A_13 = %scan3A to %scan3A_5 step %scan3A_6 iter_args(%scan3A_14 = %reshape3A, %scan3A_15 = %broadcast_in_dim3A_3) -> (vector<64x2048xf32>, vector<64x2048xi32>)  : i32 {
      %reduce_max3A = arith.constant dense<0xFF800000> : vector<64xf32>
      %reduce_max3A_16 = vector.multi_reduction <maximumf>, %scan3A_14, %reduce_max3A [1] : vector<64x2048xf32> to vector<64xf32>
      %broadcast_in_dim3A_17 = vector.shape_cast %reduce_max3A_16 : vector<64xf32> to vector<64x1xf32>
      %eq3A = vector.broadcast %broadcast_in_dim3A_17 : vector<64x1xf32> to vector<64x2048xf32>
      %eq3A_18 = arith.cmpf oeq, %scan3A_14, %eq3A : vector<64x2048xf32>
      %jit3A = arith.constant 2048 : i32
      %broadcast_in_dim3A_19 = vector.broadcast %jit3A : i32 to vector<64x2048xi32>
      %select_n3A = arith.select %eq3A_18, %iota3A, %broadcast_in_dim3A_19 : vector<64x2048xi1>, vector<64x2048xi32>
      %reduce_min3A = arith.constant dense<2147483647> : vector<64xi32>
      %reduce_min3A_20 = vector.multi_reduction <minsi>, %select_n3A, %reduce_min3A [1] : vector<64x2048xi32> to vector<64xi32>
      %broadcast_in_dim3A_21 = vector.shape_cast %reduce_min3A_20 : vector<64xi32> to vector<64x1xi32>
      %reshape3A_22 = vector.shape_cast %broadcast_in_dim3A_21 : vector<64x1xi32> to vector<1x64xi32>
      %swap3A_23 = arith.index_cast %scan3A_13 : i32 to index
      %swap3A_24 = arith.constant 0 : index
      %swap3A_25 = vector.load %arg2[%swap3A_23, %swap3A_24] : memref<40x64xi32, #tpu.memory_space<vmem>>, vector<1x64xi32>
      tpu.vector_store %arg2[%swap3A_23, %swap3A_24], %reshape3A_22 {strides = array<i32>} : memref<40x64xi32, #tpu.memory_space<vmem>>, vector<1x64xi32>,
      %eq3A_26 = vector.broadcast %broadcast_in_dim3A_21 : vector<64x1xi32> to vector<64x2048xi32>
      %eq3A_27 = arith.cmpi eq, %iota3A, %eq3A_26 : vector<64x2048xi32>
      %broadcast_in_dim3A_28 = vector.broadcast %scan3A_13 : i32 to vector<64x2048xi32>
      %select_n3A_29 = arith.select %eq3A_27, %broadcast_in_dim3A_28, %scan3A_15 : vector<64x2048xi1>, vector<64x2048xi32>
      %jit3A_30 = arith.constant -1.000000e+30 : f32
      %broadcast_in_dim3A_31 = vector.broadcast %jit3A_30 : f32 to vector<64x2048xf32>
      %select_n3A_32 = arith.select %eq3A_27, %broadcast_in_dim3A_31, %scan3A_14 : vector<64x2048xi1>, vector<64x2048xf32>
      scf.yield %select_n3A_32, %select_n3A_29 : vector<64x2048xf32>, vector<64x2048xi32>
    }
    %scan3A_8 = arith.constant 40 : i32
    %reshape3A_9 = vector.shape_cast %scan3A_7#1 : vector<64x2048xi32> to vector<32x2x2048xi32>
    %swap3A = arith.constant 0 : index
    %swap3A_10 = arith.constant 0 : index
    %swap3A_11 = arith.constant 0 : index
    %swap3A_12 = vector.load %arg1[%swap3A, %swap3A_10, %swap3A_11] : memref<32x2x2048xi32, #tpu.memory_space<vmem>>, vector<32x2x2048xi32>
    tpu.vector_store %arg1[%swap3A, %swap3A_10, %swap3A_11], %reshape3A_9 {strides = array<i32>} : memref<32x2x2048xi32, #tpu.memory_space<vmem>>, vector<32x2x2048xi32>,
    return
  }
}

module attributes {stable_mosaic.version = 14 : i64} {
  func.func @_p1_stats(%arg0: i32, %arg1: memref<2048x2048xf32, #tpu.memory_space<vmem>>, %arg2: memref<2048x2048xf32, #tpu.memory_space<vmem>>, %arg3: memref<1x2048x128xf32, #tpu.memory_space<vmem>>, %arg4: memref<1x2048x128xf32, #tpu.memory_space<vmem>>, %arg5: memref<1x2x2048xf32, #tpu.memory_space<vmem>>) attributes {dimension_semantics = [#tpu.dimension_semantics<arbitrary>], iteration_bounds = array<i64: 32>, scalar_prefetch = 0 : i64, scratch_operands = 0 : i64, tpu.core_type = #tpu.core_type<tc>, window_params = [{pipeline_mode = #tpu.pipeline_mode<synchronous>, transform_indices = @transform_0, window_bounds = array<i64: 2048, 2048>}, {pipeline_mode = #tpu.pipeline_mode<synchronous>, transform_indices = @transform_1, window_bounds = array<i64: 2048, 2048>}, {transform_indices = @transform_2, window_bounds = array<i64: 1, 2048, 128>}, {transform_indices = @transform_3, window_bounds = array<i64: 1, 2048, 128>}, {transform_indices = @transform_4, window_bounds = array<i64: 1, 2, 2048>}]} {
    %scan3A = arith.constant 0 : i32
    %scan3A_0 = arith.constant 8 : i32
    %scan3A_1 = arith.addi %scan3A, %scan3A_0 : i32
    %scan3A_2 = arith.constant 1 : i32
    scf.for %scan3A_4 = %scan3A to %scan3A_1 step %scan3A_2  : i32 {
      %mul3A = arith.constant 256 : i32
      %mul3A_5 = arith.muli %scan3A_4, %mul3A : i32
      %get3A = arith.constant 0 : index
      %get3A_6 = arith.index_cast %mul3A_5 : i32 to index
      %get3A_7 = vector.load %arg1[%get3A, %get3A_6] : memref<2048x2048xf32, #tpu.memory_space<vmem>>, vector<2048x256xf32>
      %mul3A_8 = arith.constant 256 : i32
      %mul3A_9 = arith.muli %scan3A_4, %mul3A_8 : i32
      %get3A_10 = arith.constant 0 : index
      %get3A_11 = arith.index_cast %mul3A_9 : i32 to index
      %get3A_12 = vector.load %arg2[%get3A_10, %get3A_11] : memref<2048x2048xf32, #tpu.memory_space<vmem>>, vector<2048x256xf32>
      %mul3A_13 = arith.constant 256 : i32
      %mul3A_14 = arith.muli %scan3A_4, %mul3A_13 : i32
      %get3A_15 = arith.constant 0 : index
      %get3A_16 = arith.index_cast %mul3A_14 : i32 to index
      %get3A_17 = arith.constant 0 : index
      %get3A_18 = vector.load %arg3[%get3A_15, %get3A_16, %get3A_17] : memref<1x2048x128xf32, #tpu.memory_space<vmem>>, vector<1x256x64xf32>
      %get3A_19 = vector.shape_cast %get3A_18 : vector<1x256x64xf32> to vector<256x64xf32>
      %get3A_20 = arith.constant 0 : index
      %get3A_21 = arith.constant 0 : index
      %get3A_22 = arith.constant 0 : index
      %get3A_23 = vector.load %arg4[%get3A_20, %get3A_21, %get3A_22] : memref<1x2048x128xf32, #tpu.memory_space<vmem>>, vector<1x2048x64xf32>
      %get3A_24 = vector.shape_cast %get3A_23 : vector<1x2048x64xf32> to vector<2048x64xf32>
      %dot_general3A = arith.constant dense<0.000000e+00> : vector<2048x256xf32>
      %dot_general3A_25 = tpu.matmul %get3A_24, %get3A_19, %dot_general3A {dimension_numbers = #tpu.dot_dimension_numbers<[1], [1], [0], [0], [0, 0, 1, 0], [], []>, transpose_lhs_hint = false} : vector<2048x64xf32>, vector<256x64xf32>, vector<2048x256xf32> -> vector<2048x256xf32>
      %add3A = arith.addf %dot_general3A_25, %get3A_12 : vector<2048x256xf32>
      %reduce_max3A = arith.constant dense<0xFF800000> : vector<256xf32>
      %reduce_max3A_26 = vector.multi_reduction <maximumf>, %add3A, %reduce_max3A [0] : vector<2048x256xf32> to vector<256xf32>
      %broadcast_in_dim3A = vector.shape_cast %reduce_max3A_26 : vector<256xf32> to vector<1x256xf32>
      %mul3A_27 = arith.mulf %get3A_7, %add3A : vector<2048x256xf32>
      %reduce_sum3A = arith.constant dense<0.000000e+00> : vector<256xf32>
      %reduce_sum3A_28 = vector.multi_reduction <add>, %mul3A_27, %reduce_sum3A [0] : vector<2048x256xf32> to vector<256xf32>
      %broadcast_in_dim3A_29 = vector.shape_cast %reduce_sum3A_28 : vector<256xf32> to vector<1x256xf32>
      %mul3A_30 = arith.constant 4.8828125E-4 : f32
      %mul3A_31 = vector.broadcast %mul3A_30 : f32 to vector<1x256xf32>
      %mul3A_32 = arith.mulf %broadcast_in_dim3A_29, %mul3A_31 : vector<1x256xf32>
      %sub3A = arith.subf %broadcast_in_dim3A, %mul3A_32 : vector<1x256xf32>
      %mul3A_33 = arith.constant 256 : i32
      %mul3A_34 = arith.muli %scan3A_4, %mul3A_33 : i32
      %swap3A = arith.constant 0 : index
      %swap3A_35 = arith.constant 0 : index
      %swap3A_36 = arith.index_cast %mul3A_34 : i32 to index
      %swap3A_37 = vector.load %arg5[%swap3A, %swap3A_35, %swap3A_36] : memref<1x2x2048xf32, #tpu.memory_space<vmem>>, vector<1x1x256xf32>
      %swap3A_38 = vector.shape_cast %swap3A_37 : vector<1x1x256xf32> to vector<1x256xf32>
      %swap3A_39 = vector.shape_cast %sub3A : vector<1x256xf32> to vector<1x1x256xf32>
      tpu.vector_store %arg5[%swap3A, %swap3A_35, %swap3A_36], %swap3A_39 {strides = array<i32>} : memref<1x2x2048xf32, #tpu.memory_space<vmem>>, vector<1x1x256xf32>,
      %mul3A_40 = arith.constant 256 : i32
      %mul3A_41 = arith.muli %scan3A_4, %mul3A_40 : i32
      %get3A_42 = arith.constant 0 : index
      %get3A_43 = arith.index_cast %mul3A_41 : i32 to index
      %get3A_44 = arith.constant 64 : index
      %get3A_45 = vector.load %arg3[%get3A_42, %get3A_43, %get3A_44] : memref<1x2048x128xf32, #tpu.memory_space<vmem>>, vector<1x256x64xf32>
      %get3A_46 = vector.shape_cast %get3A_45 : vector<1x256x64xf32> to vector<256x64xf32>
      %get3A_47 = arith.constant 0 : index
      %get3A_48 = arith.constant 0 : index
      %get3A_49 = arith.constant 64 : index
      %get3A_50 = vector.load %arg4[%get3A_47, %get3A_48, %get3A_49] : memref<1x2048x128xf32, #tpu.memory_space<vmem>>, vector<1x2048x64xf32>
      %get3A_51 = vector.shape_cast %get3A_50 : vector<1x2048x64xf32> to vector<2048x64xf32>
      %dot_general3A_52 = arith.constant dense<0.000000e+00> : vector<2048x256xf32>
      %dot_general3A_53 = tpu.matmul %get3A_51, %get3A_46, %dot_general3A_52 {dimension_numbers = #tpu.dot_dimension_numbers<[1], [1], [0], [0], [0, 0, 1, 0], [], []>, transpose_lhs_hint = false} : vector<2048x64xf32>, vector<256x64xf32>, vector<2048x256xf32> -> vector<2048x256xf32>
      %add3A_54 = arith.addf %dot_general3A_53, %get3A_12 : vector<2048x256xf32>
      %reduce_max3A_55 = arith.constant dense<0xFF800000> : vector<256xf32>
      %reduce_max3A_56 = vector.multi_reduction <maximumf>, %add3A_54, %reduce_max3A_55 [0] : vector<2048x256xf32> to vector<256xf32>
      %broadcast_in_dim3A_57 = vector.shape_cast %reduce_max3A_56 : vector<256xf32> to vector<1x256xf32>
      %mul3A_58 = arith.mulf %get3A_7, %add3A_54 : vector<2048x256xf32>
      %reduce_sum3A_59 = arith.constant dense<0.000000e+00> : vector<256xf32>
      %reduce_sum3A_60 = vector.multi_reduction <add>, %mul3A_58, %reduce_sum3A_59 [0] : vector<2048x256xf32> to vector<256xf32>
      %broadcast_in_dim3A_61 = vector.shape_cast %reduce_sum3A_60 : vector<256xf32> to vector<1x256xf32>
      %mul3A_62 = arith.constant 4.8828125E-4 : f32
      %mul3A_63 = vector.broadcast %mul3A_62 : f32 to vector<1x256xf32>
      %mul3A_64 = arith.mulf %broadcast_in_dim3A_61, %mul3A_63 : vector<1x256xf32>
      %sub3A_65 = arith.subf %broadcast_in_dim3A_57, %mul3A_64 : vector<1x256xf32>
      %mul3A_66 = arith.constant 256 : i32
      %mul3A_67 = arith.muli %scan3A_4, %mul3A_66 : i32
      %swap3A_68 = arith.constant 0 : index
      %swap3A_69 = arith.constant 1 : index
      %swap3A_70 = arith.index_cast %mul3A_67 : i32 to index
      %swap3A_71 = vector.load %arg5[%swap3A_68, %swap3A_69, %swap3A_70] : memref<1x2x2048xf32, #tpu.memory_space<vmem>>, vector<1x1x256xf32>
      %swap3A_72 = vector.shape_cast %swap3A_71 : vector<1x1x256xf32> to vector<1x256xf32>
      %swap3A_73 = vector.shape_cast %sub3A_65 : vector<1x256xf32> to vector<1x1x256xf32>
      tpu.vector_store %arg5[%swap3A_68, %swap3A_69, %swap3A_70], %swap3A_73 {strides = array<i32>} : memref<1x2x2048xf32, #tpu.memory_space<vmem>>, vector<1x1x256xf32>,
    }
    %scan3A_3 = arith.constant 8 : i32
    return
  }
  func.func @transform_0(%arg0: i32) -> (i32, i32) {
    %c0_i32 = arith.constant 0 : i32
    %c0_i32_0 = arith.constant 0 : i32
    %c0_i32_1 = arith.constant 0 : i32
    return %c0_i32, %c0_i32_0 : i32, i32
  }
  func.func @transform_1(%arg0: i32) -> (i32, i32) {
    %c0_i32 = arith.constant 0 : i32
    %c0_i32_0 = arith.constant 0 : i32
    %c0_i32_1 = arith.constant 0 : i32
    return %c0_i32, %c0_i32_0 : i32, i32
  }
  func.func @transform_2(%arg0: i32) -> (i32, i32, i32) {
    %jit3A = arith.constant 8 : i32
    %div3A = arith.divsi %arg0, %jit3A : i32
    %sign3A = arith.constant 0 : i32
    %sign3A_0 = arith.cmpi sgt, %arg0, %sign3A : i32
    %sign3A_1 = arith.extui %sign3A_0 : i1 to i32
    %sign3A_2 = arith.constant 0 : i32
    %sign3A_3 = arith.cmpi slt, %arg0, %sign3A_2 : i32
    %sign3A_4 = arith.extui %sign3A_3 : i1 to i32
    %sign3A_5 = arith.subi %sign3A_1, %sign3A_4 : i32
    %sign3A_6 = arith.constant 0 : i32
    %sign3A_7 = arith.cmpi sgt, %jit3A, %sign3A_6 : i32
    %sign3A_8 = arith.extui %sign3A_7 : i1 to i32
    %sign3A_9 = arith.constant 0 : i32
    %sign3A_10 = arith.cmpi slt, %jit3A, %sign3A_9 : i32
    %sign3A_11 = arith.extui %sign3A_10 : i1 to i32
    %sign3A_12 = arith.subi %sign3A_8, %sign3A_11 : i32
    %ne3A = arith.cmpi ne, %sign3A_5, %sign3A_12 : i32
    %rem3A = arith.remsi %arg0, %jit3A : i32
    %ne3A_13 = arith.constant 0 : i32
    %ne3A_14 = arith.cmpi ne, %rem3A, %ne3A_13 : i32
    %and3A = arith.andi %ne3A, %ne3A_14 : i1
    %sub3A = arith.constant 1 : i32
    %sub3A_15 = arith.subi %div3A, %sub3A : i32
    %select_n3A = arith.select %and3A, %sub3A_15, %div3A : i32
    %jit3A_16 = arith.constant 8 : i32
    %eq3A = arith.constant 0 : i32
    %eq3A_17 = arith.cmpi eq, %jit3A_16, %eq3A : i32
    %jit3A_18 = arith.constant 1 : i32
    %select_n3A_19 = arith.select %eq3A_17, %jit3A_18, %jit3A_16 : i32
    %rem3A_20 = arith.remsi %arg0, %select_n3A_19 : i32
    %ne3A_21 = arith.constant 0 : i32
    %ne3A_22 = arith.cmpi ne, %rem3A_20, %ne3A_21 : i32
    %lt3A = arith.constant 0 : i32
    %lt3A_23 = arith.cmpi slt, %rem3A_20, %lt3A : i32
    %lt3A_24 = arith.constant 0 : i32
    %lt3A_25 = arith.cmpi slt, %select_n3A_19, %lt3A_24 : i32
    %ne3A_26 = arith.xori %lt3A_23, %lt3A_25 : i1
    %and3A_27 = arith.andi %ne3A_26, %ne3A_22 : i1
    %add3A = arith.addi %rem3A_20, %select_n3A_19 : i32
    %select_n3A_28 = arith.select %and3A_27, %add3A, %rem3A_20 : i32
    %c0_i32 = arith.constant 0 : i32
    %c0_i32_29 = arith.constant 0 : i32
    return %select_n3A, %c0_i32, %select_n3A_28 : i32, i32, i32
  }
  func.func @transform_3(%arg0: i32) -> (i32, i32, i32) {
    %jit3A = arith.constant 8 : i32
    %div3A = arith.divsi %arg0, %jit3A : i32
    %sign3A = arith.constant 0 : i32
    %sign3A_0 = arith.cmpi sgt, %arg0, %sign3A : i32
    %sign3A_1 = arith.extui %sign3A_0 : i1 to i32
    %sign3A_2 = arith.constant 0 : i32
    %sign3A_3 = arith.cmpi slt, %arg0, %sign3A_2 : i32
    %sign3A_4 = arith.extui %sign3A_3 : i1 to i32
    %sign3A_5 = arith.subi %sign3A_1, %sign3A_4 : i32
    %sign3A_6 = arith.constant 0 : i32
    %sign3A_7 = arith.cmpi sgt, %jit3A, %sign3A_6 : i32
    %sign3A_8 = arith.extui %sign3A_7 : i1 to i32
    %sign3A_9 = arith.constant 0 : i32
    %sign3A_10 = arith.cmpi slt, %jit3A, %sign3A_9 : i32
    %sign3A_11 = arith.extui %sign3A_10 : i1 to i32
    %sign3A_12 = arith.subi %sign3A_8, %sign3A_11 : i32
    %ne3A = arith.cmpi ne, %sign3A_5, %sign3A_12 : i32
    %rem3A = arith.remsi %arg0, %jit3A : i32
    %ne3A_13 = arith.constant 0 : i32
    %ne3A_14 = arith.cmpi ne, %rem3A, %ne3A_13 : i32
    %and3A = arith.andi %ne3A, %ne3A_14 : i1
    %sub3A = arith.constant 1 : i32
    %sub3A_15 = arith.subi %div3A, %sub3A : i32
    %select_n3A = arith.select %and3A, %sub3A_15, %div3A : i32
    %jit3A_16 = arith.constant 8 : i32
    %eq3A = arith.constant 0 : i32
    %eq3A_17 = arith.cmpi eq, %jit3A_16, %eq3A : i32
    %jit3A_18 = arith.constant 1 : i32
    %select_n3A_19 = arith.select %eq3A_17, %jit3A_18, %jit3A_16 : i32
    %rem3A_20 = arith.remsi %arg0, %select_n3A_19 : i32
    %ne3A_21 = arith.constant 0 : i32
    %ne3A_22 = arith.cmpi ne, %rem3A_20, %ne3A_21 : i32
    %lt3A = arith.constant 0 : i32
    %lt3A_23 = arith.cmpi slt, %rem3A_20, %lt3A : i32
    %lt3A_24 = arith.constant 0 : i32
    %lt3A_25 = arith.cmpi slt, %select_n3A_19, %lt3A_24 : i32
    %ne3A_26 = arith.xori %lt3A_23, %lt3A_25 : i1
    %and3A_27 = arith.andi %ne3A_26, %ne3A_22 : i1
    %add3A = arith.addi %rem3A_20, %select_n3A_19 : i32
    %select_n3A_28 = arith.select %and3A_27, %add3A, %rem3A_20 : i32
    %c0_i32 = arith.constant 0 : i32
    %c0_i32_29 = arith.constant 0 : i32
    return %select_n3A, %c0_i32, %select_n3A_28 : i32, i32, i32
  }
  func.func @transform_4(%arg0: i32) -> (i32, i32, i32) {
    %c0_i32 = arith.constant 0 : i32
    %c0_i32_0 = arith.constant 0 : i32
    %c0_i32_1 = arith.constant 0 : i32
    return %arg0, %c0_i32, %c0_i32_0 : i32, i32, i32
  }
}

module attributes {stable_mosaic.version = 14 : i64} {
  func.func @_p3_attend(%arg0: i32, %arg1: memref<1x2x2048xi32, #tpu.memory_space<vmem>>, %arg2: memref<1x2x40x128xf32, #tpu.memory_space<vmem>>, %arg3: memref<1x2048x128xf32, #tpu.memory_space<vmem>>, %arg4: memref<1x2048x128xf32, #tpu.memory_space<vmem>>, %arg5: memref<2x2048x64xf32, #tpu.memory_space<vmem>>) attributes {dimension_semantics = [#tpu.dimension_semantics<arbitrary>], iteration_bounds = array<i64: 32>, scalar_prefetch = 0 : i64, scratch_operands = 0 : i64, tpu.core_type = #tpu.core_type<tc>, window_params = [{transform_indices = @transform_0, window_bounds = array<i64: 1, 2, 2048>}, {transform_indices = @transform_1, window_bounds = array<i64: 1, 2, 40, 128>}, {transform_indices = @transform_2, window_bounds = array<i64: 1, 2048, 128>}, {transform_indices = @transform_3, window_bounds = array<i64: 1, 2048, 128>}, {transform_indices = @transform_4, window_bounds = array<i64: 2, 2048, 64>}]} {
    %get3A = arith.constant 0 : index
    %get3A_0 = arith.constant 0 : index
    %get3A_1 = arith.constant 0 : index
    %get3A_2 = vector.load %arg3[%get3A, %get3A_0, %get3A_1] : memref<1x2048x128xf32, #tpu.memory_space<vmem>>, vector<1x2048x128xf32>
    %get3A_3 = vector.shape_cast %get3A_2 : vector<1x2048x128xf32> to vector<2048x128xf32>
    %get3A_4 = arith.constant 0 : index
    %get3A_5 = arith.constant 0 : index
    %get3A_6 = arith.constant 0 : index
    %get3A_7 = vector.load %arg4[%get3A_4, %get3A_5, %get3A_6] : memref<1x2048x128xf32, #tpu.memory_space<vmem>>, vector<1x2048x128xf32>
    %get3A_8 = vector.shape_cast %get3A_7 : vector<1x2048x128xf32> to vector<2048x128xf32>
    %iota3A = tpu.iota {dimensions = array<i32: 0>} : vector<40x2048xi32>
    %slice3A = vector.extract_strided_slice %get3A_3 {offsets = [0, 0], sizes = [2048, 64], strides = [1, 1]} : vector<2048x128xf32> to vector<2048x64xf32>
    %slice3A_9 = vector.extract_strided_slice %get3A_8 {offsets = [0, 0], sizes = [2048, 64], strides = [1, 1]} : vector<2048x128xf32> to vector<2048x64xf32>
    %get3A_10 = arith.constant 0 : index
    %get3A_11 = arith.constant 0 : index
    %get3A_12 = arith.constant 0 : index
    %get3A_13 = vector.load %arg1[%get3A_10, %get3A_11, %get3A_12] : memref<1x2x2048xi32, #tpu.memory_space<vmem>>, vector<1x1x2048xi32>
    %get3A_14 = vector.shape_cast %get3A_13 : vector<1x1x2048xi32> to vector<1x2048xi32>
    %eq3A = vector.broadcast %get3A_14 : vector<1x2048xi32> to vector<40x2048xi32>
    %eq3A_15 = arith.cmpi eq, %iota3A, %eq3A : vector<40x2048xi32>
    %convert_element_type3A = arith.extui %eq3A_15 : vector<40x2048xi1> to vector<40x2048xi32>
    %convert_element_type3A_16 = arith.sitofp %convert_element_type3A : vector<40x2048xi32> to vector<40x2048xf32>
    %get3A_17 = arith.constant 0 : index
    %get3A_18 = arith.constant 0 : index
    %get3A_19 = arith.constant 0 : index
    %get3A_20 = arith.constant 0 : index
    %get3A_21 = vector.load %arg2[%get3A_17, %get3A_18, %get3A_19, %get3A_20] : memref<1x2x40x128xf32, #tpu.memory_space<vmem>>, vector<1x1x40x64xf32>
    %get3A_22 = vector.shape_cast %get3A_21 : vector<1x1x40x64xf32> to vector<40x64xf32>
    %dot_general3A = arith.constant dense<0.000000e+00> : vector<40x2048xf32>
    %dot_general3A_23 = tpu.matmul %get3A_22, %slice3A, %dot_general3A {dimension_numbers = #tpu.dot_dimension_numbers<[1], [1], [0], [0], [0, 0, 1, 0], [], []>, transpose_lhs_hint = false} : vector<40x64xf32>, vector<2048x64xf32>, vector<40x2048xf32> -> vector<40x2048xf32>
    %mul3A = arith.constant 1.250000e-01 : f32
    %mul3A_24 = vector.broadcast %mul3A : f32 to vector<40x2048xf32>
    %mul3A_25 = arith.mulf %dot_general3A_23, %mul3A_24 : vector<40x2048xf32>
    %reduce_max3A = arith.constant dense<0xFF800000> : vector<40xf32>
    %reduce_max3A_26 = vector.multi_reduction <maximumf>, %mul3A_25, %reduce_max3A [1] : vector<40x2048xf32> to vector<40xf32>
    %broadcast_in_dim3A = vector.shape_cast %reduce_max3A_26 : vector<40xf32> to vector<40x1xf32>
    %sub3A = vector.broadcast %broadcast_in_dim3A : vector<40x1xf32> to vector<40x2048xf32>
    %sub3A_27 = arith.subf %mul3A_25, %sub3A : vector<40x2048xf32>
    %exp3A = math.exp %sub3A_27 : vector<40x2048xf32>
    %reduce_sum3A = arith.constant dense<0.000000e+00> : vector<40xf32>
    %reduce_sum3A_28 = vector.multi_reduction <add>, %exp3A, %reduce_sum3A [1] : vector<40x2048xf32> to vector<40xf32>
    %broadcast_in_dim3A_29 = vector.shape_cast %reduce_sum3A_28 : vector<40xf32> to vector<40x1xf32>
    %div3A = vector.broadcast %broadcast_in_dim3A_29 : vector<40x1xf32> to vector<40x2048xf32>
    %div3A_30 = arith.divf %exp3A, %div3A : vector<40x2048xf32>
    %dot_general3A_31 = arith.constant dense<0.000000e+00> : vector<40x64xf32>
    %dot_general3A_32 = tpu.matmul %div3A_30, %slice3A_9, %dot_general3A_31 {dimension_numbers = #tpu.dot_dimension_numbers<[1], [0], [0], [1], [0, 0, 1, 1], [], []>, transpose_lhs_hint = false} : vector<40x2048xf32>, vector<2048x64xf32>, vector<40x64xf32> -> vector<40x64xf32>
    %reduce_sum3A_33 = arith.constant dense<0.000000e+00> : vector<64xf32>
    %reduce_sum3A_34 = vector.multi_reduction <add>, %slice3A_9, %reduce_sum3A_33 [0] : vector<2048x64xf32> to vector<64xf32>
    %broadcast_in_dim3A_35 = vector.shape_cast %reduce_sum3A_34 : vector<64xf32> to vector<1x64xf32>
    %div3A_36 = arith.constant 2.048000e+03 : f32
    %div3A_37 = vector.broadcast %div3A_36 : f32 to vector<1x64xf32>
    %div3A_38 = arith.divf %broadcast_in_dim3A_35, %div3A_37 : vector<1x64xf32>
    %sub3A_39 = vector.broadcast %div3A_38 : vector<1x64xf32> to vector<40x64xf32>
    %sub3A_40 = arith.subf %dot_general3A_32, %sub3A_39 : vector<40x64xf32>
    %dot_general3A_41 = arith.constant dense<0.000000e+00> : vector<2048x64xf32>
    %dot_general3A_42 = tpu.matmul %convert_element_type3A_16, %sub3A_40, %dot_general3A_41 {dimension_numbers = #tpu.dot_dimension_numbers<[0], [0], [1], [1], [0, 1, 1, 1], [], []>, transpose_lhs_hint = false} : vector<40x2048xf32>, vector<40x64xf32>, vector<2048x64xf32> -> vector<2048x64xf32>
    %add3A = vector.broadcast %div3A_38 : vector<1x64xf32> to vector<2048x64xf32>
    %add3A_43 = arith.addf %dot_general3A_42, %add3A : vector<2048x64xf32>
    %broadcast_in_dim3A_44 = vector.shape_cast %add3A_43 : vector<2048x64xf32> to vector<1x2048x64xf32>
    %swap3A = arith.constant 0 : index
    %swap3A_45 = arith.constant 0 : index
    %swap3A_46 = arith.constant 0 : index
    %swap3A_47 = vector.load %arg5[%swap3A, %swap3A_45, %swap3A_46] : memref<2x2048x64xf32, #tpu.memory_space<vmem>>, vector<1x2048x64xf32>
    tpu.vector_store %arg5[%swap3A, %swap3A_45, %swap3A_46], %broadcast_in_dim3A_44 {strides = array<i32>} : memref<2x2048x64xf32, #tpu.memory_space<vmem>>, vector<1x2048x64xf32>,
    %slice3A_48 = vector.extract_strided_slice %get3A_3 {offsets = [0, 64], sizes = [2048, 64], strides = [1, 1]} : vector<2048x128xf32> to vector<2048x64xf32>
    %slice3A_49 = vector.extract_strided_slice %get3A_8 {offsets = [0, 64], sizes = [2048, 64], strides = [1, 1]} : vector<2048x128xf32> to vector<2048x64xf32>
    %get3A_50 = arith.constant 0 : index
    %get3A_51 = arith.constant 1 : index
    %get3A_52 = arith.constant 0 : index
    %get3A_53 = vector.load %arg1[%get3A_50, %get3A_51, %get3A_52] : memref<1x2x2048xi32, #tpu.memory_space<vmem>>, vector<1x1x2048xi32>
    %get3A_54 = vector.shape_cast %get3A_53 : vector<1x1x2048xi32> to vector<1x2048xi32>
    %eq3A_55 = vector.broadcast %get3A_54 : vector<1x2048xi32> to vector<40x2048xi32>
    %eq3A_56 = arith.cmpi eq, %iota3A, %eq3A_55 : vector<40x2048xi32>
    %convert_element_type3A_57 = arith.extui %eq3A_56 : vector<40x2048xi1> to vector<40x2048xi32>
    %convert_element_type3A_58 = arith.sitofp %convert_element_type3A_57 : vector<40x2048xi32> to vector<40x2048xf32>
    %get3A_59 = arith.constant 0 : index
    %get3A_60 = arith.constant 1 : index
    %get3A_61 = arith.constant 0 : index
    %get3A_62 = arith.constant 64 : index
    %get3A_63 = vector.load %arg2[%get3A_59, %get3A_60, %get3A_61, %get3A_62] : memref<1x2x40x128xf32, #tpu.memory_space<vmem>>, vector<1x1x40x64xf32>
    %get3A_64 = vector.shape_cast %get3A_63 : vector<1x1x40x64xf32> to vector<40x64xf32>
    %dot_general3A_65 = arith.constant dense<0.000000e+00> : vector<40x2048xf32>
    %dot_general3A_66 = tpu.matmul %get3A_64, %slice3A_48, %dot_general3A_65 {dimension_numbers = #tpu.dot_dimension_numbers<[1], [1], [0], [0], [0, 0, 1, 0], [], []>, transpose_lhs_hint = false} : vector<40x64xf32>, vector<2048x64xf32>, vector<40x2048xf32> -> vector<40x2048xf32>
    %mul3A_67 = arith.constant 1.250000e-01 : f32
    %mul3A_68 = vector.broadcast %mul3A_67 : f32 to vector<40x2048xf32>
    %mul3A_69 = arith.mulf %dot_general3A_66, %mul3A_68 : vector<40x2048xf32>
    %reduce_max3A_70 = arith.constant dense<0xFF800000> : vector<40xf32>
    %reduce_max3A_71 = vector.multi_reduction <maximumf>, %mul3A_69, %reduce_max3A_70 [1] : vector<40x2048xf32> to vector<40xf32>
    %broadcast_in_dim3A_72 = vector.shape_cast %reduce_max3A_71 : vector<40xf32> to vector<40x1xf32>
    %sub3A_73 = vector.broadcast %broadcast_in_dim3A_72 : vector<40x1xf32> to vector<40x2048xf32>
    %sub3A_74 = arith.subf %mul3A_69, %sub3A_73 : vector<40x2048xf32>
    %exp3A_75 = math.exp %sub3A_74 : vector<40x2048xf32>
    %reduce_sum3A_76 = arith.constant dense<0.000000e+00> : vector<40xf32>
    %reduce_sum3A_77 = vector.multi_reduction <add>, %exp3A_75, %reduce_sum3A_76 [1] : vector<40x2048xf32> to vector<40xf32>
    %broadcast_in_dim3A_78 = vector.shape_cast %reduce_sum3A_77 : vector<40xf32> to vector<40x1xf32>
    %div3A_79 = vector.broadcast %broadcast_in_dim3A_78 : vector<40x1xf32> to vector<40x2048xf32>
    %div3A_80 = arith.divf %exp3A_75, %div3A_79 : vector<40x2048xf32>
    %dot_general3A_81 = arith.constant dense<0.000000e+00> : vector<40x64xf32>
    %dot_general3A_82 = tpu.matmul %div3A_80, %slice3A_49, %dot_general3A_81 {dimension_numbers = #tpu.dot_dimension_numbers<[1], [0], [0], [1], [0, 0, 1, 1], [], []>, transpose_lhs_hint = false} : vector<40x2048xf32>, vector<2048x64xf32>, vector<40x64xf32> -> vector<40x64xf32>
    %reduce_sum3A_83 = arith.constant dense<0.000000e+00> : vector<64xf32>
    %reduce_sum3A_84 = vector.multi_reduction <add>, %slice3A_49, %reduce_sum3A_83 [0] : vector<2048x64xf32> to vector<64xf32>
    %broadcast_in_dim3A_85 = vector.shape_cast %reduce_sum3A_84 : vector<64xf32> to vector<1x64xf32>
    %div3A_86 = arith.constant 2.048000e+03 : f32
    %div3A_87 = vector.broadcast %div3A_86 : f32 to vector<1x64xf32>
    %div3A_88 = arith.divf %broadcast_in_dim3A_85, %div3A_87 : vector<1x64xf32>
    %sub3A_89 = vector.broadcast %div3A_88 : vector<1x64xf32> to vector<40x64xf32>
    %sub3A_90 = arith.subf %dot_general3A_82, %sub3A_89 : vector<40x64xf32>
    %dot_general3A_91 = arith.constant dense<0.000000e+00> : vector<2048x64xf32>
    %dot_general3A_92 = tpu.matmul %convert_element_type3A_58, %sub3A_90, %dot_general3A_91 {dimension_numbers = #tpu.dot_dimension_numbers<[0], [0], [1], [1], [0, 1, 1, 1], [], []>, transpose_lhs_hint = false} : vector<40x2048xf32>, vector<40x64xf32>, vector<2048x64xf32> -> vector<2048x64xf32>
    %add3A_93 = vector.broadcast %div3A_88 : vector<1x64xf32> to vector<2048x64xf32>
    %add3A_94 = arith.addf %dot_general3A_92, %add3A_93 : vector<2048x64xf32>
    %broadcast_in_dim3A_95 = vector.shape_cast %add3A_94 : vector<2048x64xf32> to vector<1x2048x64xf32>
    %swap3A_96 = arith.constant 1 : index
    %swap3A_97 = arith.constant 0 : index
    %swap3A_98 = arith.constant 0 : index
    %swap3A_99 = vector.load %arg5[%swap3A_96, %swap3A_97, %swap3A_98] : memref<2x2048x64xf32, #tpu.memory_space<vmem>>, vector<1x2048x64xf32>
    tpu.vector_store %arg5[%swap3A_96, %swap3A_97, %swap3A_98], %broadcast_in_dim3A_95 {strides = array<i32>} : memref<2x2048x64xf32, #tpu.memory_space<vmem>>, vector<1x2048x64xf32>,
    return
  }
  func.func @transform_0(%arg0: i32) -> (i32, i32, i32) {
    %c0_i32 = arith.constant 0 : i32
    %c0_i32_0 = arith.constant 0 : i32
    %c0_i32_1 = arith.constant 0 : i32
    return %arg0, %c0_i32, %c0_i32_0 : i32, i32, i32
  }
  func.func @transform_1(%arg0: i32) -> (i32, i32, i32, i32) {
    %c0_i32 = arith.constant 0 : i32
    %c0_i32_0 = arith.constant 0 : i32
    %c0_i32_1 = arith.constant 0 : i32
    %c0_i32_2 = arith.constant 0 : i32
    return %arg0, %c0_i32, %c0_i32_0, %c0_i32_1 : i32, i32, i32, i32
  }
  func.func @transform_2(%arg0: i32) -> (i32, i32, i32) {
    %jit3A = arith.constant 8 : i32
    %div3A = arith.divsi %arg0, %jit3A : i32
    %sign3A = arith.constant 0 : i32
    %sign3A_0 = arith.cmpi sgt, %arg0, %sign3A : i32
    %sign3A_1 = arith.extui %sign3A_0 : i1 to i32
    %sign3A_2 = arith.constant 0 : i32
    %sign3A_3 = arith.cmpi slt, %arg0, %sign3A_2 : i32
    %sign3A_4 = arith.extui %sign3A_3 : i1 to i32
    %sign3A_5 = arith.subi %sign3A_1, %sign3A_4 : i32
    %sign3A_6 = arith.constant 0 : i32
    %sign3A_7 = arith.cmpi sgt, %jit3A, %sign3A_6 : i32
    %sign3A_8 = arith.extui %sign3A_7 : i1 to i32
    %sign3A_9 = arith.constant 0 : i32
    %sign3A_10 = arith.cmpi slt, %jit3A, %sign3A_9 : i32
    %sign3A_11 = arith.extui %sign3A_10 : i1 to i32
    %sign3A_12 = arith.subi %sign3A_8, %sign3A_11 : i32
    %ne3A = arith.cmpi ne, %sign3A_5, %sign3A_12 : i32
    %rem3A = arith.remsi %arg0, %jit3A : i32
    %ne3A_13 = arith.constant 0 : i32
    %ne3A_14 = arith.cmpi ne, %rem3A, %ne3A_13 : i32
    %and3A = arith.andi %ne3A, %ne3A_14 : i1
    %sub3A = arith.constant 1 : i32
    %sub3A_15 = arith.subi %div3A, %sub3A : i32
    %select_n3A = arith.select %and3A, %sub3A_15, %div3A : i32
    %jit3A_16 = arith.constant 8 : i32
    %eq3A = arith.constant 0 : i32
    %eq3A_17 = arith.cmpi eq, %jit3A_16, %eq3A : i32
    %jit3A_18 = arith.constant 1 : i32
    %select_n3A_19 = arith.select %eq3A_17, %jit3A_18, %jit3A_16 : i32
    %rem3A_20 = arith.remsi %arg0, %select_n3A_19 : i32
    %ne3A_21 = arith.constant 0 : i32
    %ne3A_22 = arith.cmpi ne, %rem3A_20, %ne3A_21 : i32
    %lt3A = arith.constant 0 : i32
    %lt3A_23 = arith.cmpi slt, %rem3A_20, %lt3A : i32
    %lt3A_24 = arith.constant 0 : i32
    %lt3A_25 = arith.cmpi slt, %select_n3A_19, %lt3A_24 : i32
    %ne3A_26 = arith.xori %lt3A_23, %lt3A_25 : i1
    %and3A_27 = arith.andi %ne3A_26, %ne3A_22 : i1
    %add3A = arith.addi %rem3A_20, %select_n3A_19 : i32
    %select_n3A_28 = arith.select %and3A_27, %add3A, %rem3A_20 : i32
    %c0_i32 = arith.constant 0 : i32
    %c0_i32_29 = arith.constant 0 : i32
    return %select_n3A, %c0_i32, %select_n3A_28 : i32, i32, i32
  }
  func.func @transform_3(%arg0: i32) -> (i32, i32, i32) {
    %jit3A = arith.constant 8 : i32
    %div3A = arith.divsi %arg0, %jit3A : i32
    %sign3A = arith.constant 0 : i32
    %sign3A_0 = arith.cmpi sgt, %arg0, %sign3A : i32
    %sign3A_1 = arith.extui %sign3A_0 : i1 to i32
    %sign3A_2 = arith.constant 0 : i32
    %sign3A_3 = arith.cmpi slt, %arg0, %sign3A_2 : i32
    %sign3A_4 = arith.extui %sign3A_3 : i1 to i32
    %sign3A_5 = arith.subi %sign3A_1, %sign3A_4 : i32
    %sign3A_6 = arith.constant 0 : i32
    %sign3A_7 = arith.cmpi sgt, %jit3A, %sign3A_6 : i32
    %sign3A_8 = arith.extui %sign3A_7 : i1 to i32
    %sign3A_9 = arith.constant 0 : i32
    %sign3A_10 = arith.cmpi slt, %jit3A, %sign3A_9 : i32
    %sign3A_11 = arith.extui %sign3A_10 : i1 to i32
    %sign3A_12 = arith.subi %sign3A_8, %sign3A_11 : i32
    %ne3A = arith.cmpi ne, %sign3A_5, %sign3A_12 : i32
    %rem3A = arith.remsi %arg0, %jit3A : i32
    %ne3A_13 = arith.constant 0 : i32
    %ne3A_14 = arith.cmpi ne, %rem3A, %ne3A_13 : i32
    %and3A = arith.andi %ne3A, %ne3A_14 : i1
    %sub3A = arith.constant 1 : i32
    %sub3A_15 = arith.subi %div3A, %sub3A : i32
    %select_n3A = arith.select %and3A, %sub3A_15, %div3A : i32
    %jit3A_16 = arith.constant 8 : i32
    %eq3A = arith.constant 0 : i32
    %eq3A_17 = arith.cmpi eq, %jit3A_16, %eq3A : i32
    %jit3A_18 = arith.constant 1 : i32
    %select_n3A_19 = arith.select %eq3A_17, %jit3A_18, %jit3A_16 : i32
    %rem3A_20 = arith.remsi %arg0, %select_n3A_19 : i32
    %ne3A_21 = arith.constant 0 : i32
    %ne3A_22 = arith.cmpi ne, %rem3A_20, %ne3A_21 : i32
    %lt3A = arith.constant 0 : i32
    %lt3A_23 = arith.cmpi slt, %rem3A_20, %lt3A : i32
    %lt3A_24 = arith.constant 0 : i32
    %lt3A_25 = arith.cmpi slt, %select_n3A_19, %lt3A_24 : i32
    %ne3A_26 = arith.xori %lt3A_23, %lt3A_25 : i1
    %and3A_27 = arith.andi %ne3A_26, %ne3A_22 : i1
    %add3A = arith.addi %rem3A_20, %select_n3A_19 : i32
    %select_n3A_28 = arith.select %and3A_27, %add3A, %rem3A_20 : i32
    %c0_i32 = arith.constant 0 : i32
    %c0_i32_29 = arith.constant 0 : i32
    return %select_n3A, %c0_i32, %select_n3A_28 : i32, i32, i32
  }
  func.func @transform_4(%arg0: i32) -> (i32, i32, i32) {
    %c0_i32 = arith.constant 0 : i32
    %c0_i32_0 = arith.constant 0 : i32
    %c0_i32_1 = arith.constant 0 : i32
    return %arg0, %c0_i32, %c0_i32_0 : i32, i32, i32
  }
}

</mosaic_0001>

<sc_bundles>
// kernel: kernel.6.cloned.1.call-start
scs
__scs_entry_jumppad:
0x0: {  	(pc) =	sbr.rel $0x88, $3  }
0x1: {  	(tag) =	ssettag $0x0;
	lr =	simm.s32 $0x1  }
0x2: {  	[smem:$0x3F9E] =	sst lr;
	_ =	strace $0xD0000000  }
0x3: {  	_ = 	snop  }
0x4: {  	_ = 	snop  }
0x5: {  	_ = 	snop  }
0x6: {  	_ = 	snop  }
0x7: {  	_ = 	snop  }
__scs_overlays_trampoline_lowered:
0x8: {  	[smem:$0x3FAD] =	sst s0  }
0x9: {  	[smem:$0x3FAE] =	sst s1  }
0xa: {  	[smem:$0x3FAF] =	sst s2  }
0xb: {  	[smem:$0x3FB0] =	sst s3  }
0xc: {  	[smem:$0x3FB1] =	sst s4  }
0xd: {  	[smem:$0x3FB2] =	sst s5  }
0xe: {  	[smem:$0x3FB3] =	sst s6  }
0xf: {  	[smem:$0x3FB4] =	sst s7  }
0x10: {  	[smem:$0x3FB5] =	sst s8  }
0x11: {  	[smem:$0x3FB6] =	sst s9;
	s0 =	simm.s32 @!p0 $0x0  }
0x12: {  	s1 =	sld [smem:$0x3F9C];
	s0 =	simm.s32 @p0 $0x1  }
0x13: {  	[smem:$0x3FB7] =	sst s0;
	s0 =	simm.s32 @!p1 $0x0  }
0x14: {  	s2 =	sld [smem:$0x3F9B];
	s0 =	simm.s32 @p1 $0x1  }
0x15: {  	[smem:$0x3FB8] =	sst s0;
	s0 =	simm.s32 @!p2 $0x0  }
0x16: {  	s3 =	sld [smem:$0x3FDB];
	s0 =	simm.s32 @p2 $0x1  }
0x17: {  	s4 =	simm.s32 $0x1BF5;
	[smem:$0x3FBA] =	sst s0  }
0x18: {  	s0 =	sld [smem:$0x3F9D];
	_ =	swait.ge [sflag:s4], $0x0  }
0x19: {  	s7 =	sld [smem:$0x3F9E]  }
0x1a: {  	s8 =	sadd.s32 $0xFFFFE003, lr  }
0x1b: {  	s9 =	sadd.s32 $0xFFFFFEF7, lr;
	s5 =	simm.s32 $0xFFFFFFFF;
	p2 =	slt.u32 s8, $0xFFFFF086  }
0x1c: {  	p1 =	slt.u32 s9, $0xF7A;
	s5 =	simm.s32 @!p2 $0x0  }
0x1d: {  	s5 =	simm.s32 @p1 $0x1;
	p0 =	seq.s32 s7, s2  }
0x1e: {  	s7 =	smul.u32 @!p0 $0xF7A, s2;
	p2 =	seq.s32 @!p0 s5, $0x0  }
0x1f: {  	s9 =	smul.u32 $0xF7A, s1;
	s8 =	simm.s32 @!p0 $0x1BF5;
	p2 =	por !p2, p0  }
0x20: {  	[sflag:s8] =	ssyncset.s32 @!p0 $0xFFFFF086;
	s6 =	sadd.s32 @!p0 s3, s7;
	s7 =	simm.s32 @!p0 $0x108  }
0x21: {  	s3 =	sadd.s32 s3, s9;
	s6 =	sadd.s32 @!p0 $0x88, s6;
	s7 =	simm.s32 @p2 $0x1082  }
0x22: {  	[simem:s7], [sflag:s8] =	dma.local @!p0 [hbm:s6], $0xF7A  }
0x23: {  	s9 =	sor.u32 $0xD0000000, s2;
	s6 =	simm.s32 $0x108;
	_ =	swait.ge @!p0 [sflag:s8], $0x0  }
0x24: {  	s3 =	sadd.s32 $0x88, s3;
	s6 =	simm.s32 @!p1 $0x1082;
	[sflag:s4] =	ssyncset.s32 $0xFFFFF086  }
0x25: {  	[simem:s6], [sflag:s4] =	dma.local [hbm:s3], $0xF7A  }
0x26: {  	[smem:$0x3F9E] =	sst s1;
	(tag) =	ssettag s2;
	_ =	strace s9  }
0x27: {  	s1 =	sld [smem:$0x3FAE]  }
0x28: {  	s2 =	sld [smem:$0x3FAF]  }
0x29: {  	s4 =	sld [smem:$0x3FB1]  }
0x2a: {  	p0 =	seq.s32 s5, $0x0;
	s5 =	sld [smem:$0x3FB2]  }
0x2b: {  	s6 =	sld [smem:$0x3FB3]  }
0x2c: {  	s7 =	sld [smem:$0x3FB4]  }
0x2d: {  	s3 =	simm.s32 $0x108;
	s8 =	sld [smem:$0x3FB5]  }
0x2e: {  	s3 =	simm.s32 @!p0 $0x1082;
	s9 =	sld [smem:$0x3FB6]  }
0x2f: {  	lr =	sadd.s32 s0, s3;
	s0 =	sld [smem:$0x3FAD]  }
0x30: {  	s3 =	sld [smem:$0x3FB0]  }
0x31: {  	[smem:$0x3FB9] =	sst s10  }
0x32: {  	s10 =	sld [smem:$0x3FB7];
	_ =	sdelay $0x3  }
0x33: {  	p0 =	seq.s32 s10, $0x1;
	s10 =	sld [smem:$0x3FB9];
	_ =	sdelay $0x3  }
0x34: {  	[smem:$0x3FB9] =	sst s10  }
0x35: {  	s10 =	sld [smem:$0x3FB8];
	_ =	sdelay $0x3  }
0x36: {  	p1 =	seq.s32 s10, $0x1;
	s10 =	sld [smem:$0x3FB9];
	_ =	sdelay $0x3  }
0x37: {  	[smem:$0x3FB9] =	sst s10  }
0x38: {  	s10 =	sld [smem:$0x3FBA]  }
0x39: {  	_ = 	snop;
	(pc) =	sbr.ind lr, $3  }
0x3a: {  	_ = 	snop  }
0x3b: {  	_ = 	snop  }
0x3c: {  	p2 =	seq.s32 s10, $0x1;
	s10 =	sld [smem:$0x3FB9]  }
0x3d: {  	_ =	shalt  }
0x3e: {  	_ =	shalt  }
0x3f: {  	_ =	shalt  }
0x40: {  	_ =	shalt  }
0x41: {  	_ =	shalt  }
0x42: {  	_ =	shalt  }
0x43: {  	_ =	shalt  }
0x44: {  	_ =	shalt  }
0x45: {  	_ =	shalt  }
0x46: {  	_ =	shalt  }
0x47: {  	_ =	shalt  }
0x48: {  	_ =	shalt  }
0x49: {  	_ =	shalt  }
0x4a: {  	_ =	shalt  }
0x4b: {  	_ =	shalt  }
0x4c: {  	_ =	shalt  }
0x4d: {  	_ =	shalt  }
0x4e: {  	_ =	shalt  }
0x4f: {  	_ =	shalt  }
0x50: {  	_ =	shalt  }
0x51: {  	_ =	shalt  }
0x52: {  	_ =	shalt  }
0x53: {  	_ =	shalt  }
0x54: {  	_ =	shalt  }
0x55: {  	_ =	shalt  }
0x56: {  	_ =	shalt  }
0x57: {  	_ =	shalt  }
0x58: {  	_ =	shalt  }
0x59: {  	_ =	shalt  }
0x5a: {  	_ =	shalt  }
0x5b: {  	_ =	shalt  }
0x5c: {  	_ =	shalt  }
0x5d: {  	_ =	shalt  }
0x5e: {  	_ =	shalt  }
0x5f: {  	_ =	shalt  }
0x60: {  	_ =	shalt  }
0x61: {  	_ =	shalt  }
0x62: {  	_ =	shalt  }
0x63: {  	_ =	shalt  }
0x64: {  	_ =	shalt  }
0x65: {  	_ =	shalt  }
0x66: {  	_ =	shalt  }
0x67: {  	_ =	shalt  }
0x68: {  	_ =	shalt  }
0x69: {  	_ =	shalt  }
0x6a: {  	_ =	shalt  }
0x6b: {  	_ =	shalt  }
0x6c: {  	_ =	shalt  }
0x6d: {  	_ =	shalt  }
0x6e: {  	_ =	shalt  }
0x6f: {  	_ =	shalt  }
0x70: {  	_ =	shalt  }
0x71: {  	_ =	shalt  }
0x72: {  	_ =	shalt  }
0x73: {  	_ =	shalt  }
0x74: {  	_ =	shalt  }
0x75: {  	_ =	shalt  }
0x76: {  	_ =	shalt  }
0x77: {  	_ =	shalt  }
0x78: {  	_ =	shalt  }
0x79: {  	_ =	shalt  }
0x7a: {  	_ =	shalt  }
0x7b: {  	_ =	shalt  }
0x7c: {  	_ =	shalt  }
0x7d: {  	_ =	shalt  }
0x7e: {  	_ =	shalt  }
0x7f: {  	_ =	shalt  }
0x80: {  	_ =	shalt  }
0x81: {  	_ =	shalt  }
0x82: {  	_ =	shalt  }
0x83: {  	_ =	shalt  }
0x84: {  	_ =	shalt  }
0x85: {  	_ =	shalt  }
0x86: {  	_ =	shalt  }
0x87: {  	_ =	shalt  }
.Lfunc_end0:
.L_simem_size_0:
called_computation.1_lowered:
.L_overlay_start_0:
0x88: {  	s2 =	sld [smem:$0x3FD9]  }
0x89: {  	s3 =	sld [smem:$0x3FFE];
	_ =	sdelay $0x1  }
0x8a: {  	s1 =	srdreg.scid  }
0x8b: {  	s0 =	sand.u32 $0x1, s1  }
0x8c: {  	s17 =	sshll.u32 s0, $0xA;
	s2 =	sadd.s32 s3, s2  }
0x8d: {  	s2 =	sadd.s32 s2, s17  }
0x8e: {  	[smem:$0x3FC5] =	sst s2  }
0x8f: {  	_ = 	snop  }
0x90: {  	s2 =	sld [smem:$0x3FD0];
	(tm) =	ssettm $0x1  }
0x91: {  	s18 =	sld [smem:$0x3FFB];
	_ =	sdelay $0x3  }
0x92: {  	_ =	strace s18  }
0x93: {  	s3 =	sld [smem:$0x3FFC];
	_ =	sdelay $0x3  }
0x94: {  	_ =	strace s3  }
0x95: {  	s3 =	sld [smem:$0x3FFD];
	_ =	sdelay $0x3  }
0x96: {  	_ =	strace s3  }
0x97: {  	_ =	strace $0x8FFFFFFF  }
0x98: {  	s19 =	sld [smem:$0x3FDB];
	_ =	sdelay $0x1  }
0x99: {  	s4 =	simm.s32 $_scs_section_size  }
0x9a: {  	s5 =	simm.s32 $_size__tile_overlayer_lowered;
	s6 =	simm.s32 $_tile_overlayer_lowered  }
0x9b: {  	s22 =	simm.s32 $0x1BFF;
	s21 =	sshll.u32 s6, $0x1;
	s3 =	sadd.s32 s4, s19  }
0x9c: {  	s7 =	simm.s32 $0x0;
	s20 =	sshll.u32 s5, $0x1;
	s5 =	sadd.s32 s21, s3  }
0x9d: {  	[timem:s7], [sflag:s22] =	dma.local [hbm:s5], s20  }
0x9e: {  	_ =	swait.ge [sflag:s22], s20  }
0x9f: {  	s4 =	ssub.s32 $0x0, s20;
	[sflag:s22] =	ssyncset.done $0x0  }
0xa0: {  	[sflag:s22] =	ssyncadd.s32 s4;
	_ =	sdelay $0x1  }
0xa1: {  	s23 =	simm.s32 $0x1B8B  }
0xa2: {  	_ =	swait.ge [sflag:s23], $0x1  }
0xa3: {  	[sflag:s23] =	ssyncset.done $0x0  }
0xa4: {  	s25 =	simm.s32 $0x1B8E;
	s24 =	sld [smem:$0x3FFE];
	[sflag:s23] =	ssyncadd.s32 $0xFFFFFFFF  }
0xa5: {  	s26 =	simm.s32 $execute0_lowered;
	[smem:$0x3FD2] =	sst s25  }
0xa6: {  	s5 =	sshll.u32 s26, $0x1;
	_ =	strace $0x80000046;
	[dreg:$0x1] =	wrdreg $0xFFFFFFFF  }
0xa7: {  	s28 =	simm.s32 $_size_execute0_lowered;
	s3 =	sadd.s32 s3, s5;
	[dreg:$0x0] =	wrdreg $0x0  }
0xa8: {  	s5 =	sshll.u32 s28, $0x1;
	[dreg:$0x2] =	wrdreg s3  }
0xa9: {  	[dreg:$0x3] =	wrdreg s5  }
0xaa: {  	[dreg:$0x4] =	wrdreg $0xC0  }
0xab: {  	_ =	task [dreg:s7], $0x5FFFF  }
0xac: {  	[dreg:$0x1] =	wrdreg $0xFFFFFFFF  }
0xad: {  	[dreg:$0x0] =	wrdreg $0x60  }
0xae: {  	[dreg:$0x2] =	wrdreg s2  }
0xaf: {  	[dreg:$0x3] =	wrdreg s24  }
0xb0: {  	[dreg:$0x4] =	wrdreg $0x9  }
0xb1: {  	_ =	task.clear_ibuf [dreg:s7], $0x5FFFF;
	_ =	strace $0x90000046  }
0xb2: {  	s29 =	simm.s32 $0x9;
	_ =	strace $0x80000048  }
0xb3: {  	_ =	swait.ge [sflag:s29], $0x1  }
0xb4: {  	[sflag:s29] =	ssyncadd.s32 $0xFFFFFFFF  }
0xb5: {  	_ =	strace $0x90000048  }
0xb6: {  	_ =	sfence  }
0xb7: {  	s30 =	sld [smem:$0x0];
	_ =	sdelay $0x2  }
0xb8: {  	s31 =	sshll.u32 s1, $0xD;
	s1 =	sshrl.u32 s1, $0x2  }
0xb9: {  	s3 =	sand.u32 $0x4000, s31;
	s1 =	sadd.s32 s1, s30  }
0xba: {  	s0 =	sor.u32 s3, s0;
	s1 =	sshll.u32 s1, $0x11  }
0xbb: {  	s0 =	sor.u32 s1, s0  }
0xbc: {  	s0 =	sadd.s32 $0x8F2B, s0  }
0xbd: {  	[sflag:s0] =	ssyncadd.remote.s32 $0x1  }
0xbe: {  	_ =	sfence.sel $0xFFFF  }
0xbf: {  	[dreg:$0x0] =	wrdreg $0xFFFFFFFF;
	(pc) =	sbr.abs _section_cstart, $3  }
0xc0: {  	[dreg:$0x1] =	wrdreg $0xFFFFFFFF  }
0xc1: {  	_ =	task.clear_ibuf [dreg:s7], $0x2FFFF;
	_ =	strace $0x9FFFFFFF  }
0xc2: {  	(tm) =	ssettm $0x7FFFFFFF  }
0xc3: {  	_ =	shalt  }
tec
execute0_lowered:
.L_overlay_start_1:
0x0: {  	(tag) =	ssettag $0x1  }
0x1: {  	s1 =	srdreg.scid;
	s0 =	stileid.u32  }
0x2: {  	s2 =	rddreg [dreg:$0x0];
	s6 =	sand.u32 $0x1, s1;
	s30 =	sshll.u32 s0, $0x1  }
0x3: {  	s9 =	rddreg [dreg:$0x1];
	s7 =	sor.u32 s6, s30  }
0x4: {  	s3 =	simm.s32 $0x0;
	s1 =	rddreg [dreg:$0x2];
	s4 =	smul.u32 $0xA, s7  }
0x5: {  	s8 =	simm.s32 $0x1;
	[smem:$0x7FF] =	sst s3  }
0x6: {  	_ =	strace $0x80000047;
	s11 =	ssub.s32 $0x2, s6;
	s4 =	sadd.s32 s4, s9  }
0x7: {  	s6 =	simm.s32 $0x50;
	s5 =	sadd.s32 $0x301E00, s4;
	s4 =	simm.s32 $0x2  }
0x8: {  	[tilespmem:s3], [sflag:$0x2] =	stream.linear.gather [hbm4b:s5+s3], $0x50, $0x38;
	[tilespmem:$0x2880] =	vst v63  }
0x9: {  	s10 =	smul.u32 $0x500, s7;
	s12 =	sshrl.u32 s11, $0x1;
	_ =	swait.ge [sflag:s4], $0x50  }
0xa: {  	s7 =	simm.s32 $0x80;
	s31 =	ssub.s32 s11, s12;
	[sflag:s4] =	ssyncset.done $0x0  }
0xb: {  	s9 =	sadd.s32 s10, s9;
	s10 =	smax.u32 s31, $0x1;
	[sflag:s4] =	ssyncadd.s32 $0xFFFFFFB0  }
0xc: {  	[tilespmem:s7], [sflag:$0x1] =	stream.indirect.gather [hbm4b:s2+s6], $0x80, s3, s6, $0xb8;
	[tilespmem:$0x2880] =	vst v63  }
0xd: {  	p0 =	sne.s32 s10, $0x1;
	_ =	swait.ge [sflag:s8], $0x2800  }
.Ltmp0:
0xe: {  	[sflag:s8] =	ssyncset.done $0x0;
	(pc) =	sbr.rel @!p0 .LBB2_2-.Ltmp0, $4  }
0xf: {  	s9 =	sadd.s32 $0x101E00, s9;
	[sflag:s8] =	ssyncadd.s32 $0xFFFFD800  }
0x10: {  	[hbm4b:s9+s3] =	stream.linear.scatter [tilespmem:s7], [sflag:$0x2], $0x2800, $0x38;
	[tilespmem:$0x2880] =	vst v63  }
0x11: {  	_ =	swait.ge [sflag:s4], $0x2800  }
0x12: {  	s10 =	sadd.s32 $0xFFFFFFFF, s10;
	[sflag:s4] =	ssyncset.done $0x0  }
.LBB2_1:
0x13: {  	p0 =	sne.s32 s10, $0x1;
	s10 =	sadd.s32 $0xFFFFFFFF, s10;
	[sflag:s4] =	ssyncadd.s32 $0xFFFFD800  }
0x14: {  	[tilespmem:s3], [sflag:$0x2] =	stream.linear.gather [hbm4b:s5+s3], $0x50, $0x38;
	[tilespmem:$0x2880] =	vst v63  }
0x15: {  	_ =	swait.ge [sflag:s4], $0x50  }
0x16: {  	[sflag:s4] =	ssyncset.done $0x0  }
0x17: {  	[sflag:s4] =	ssyncadd.s32 $0xFFFFFFB0  }
0x18: {  	[tilespmem:s7], [sflag:$0x1] =	stream.indirect.gather [hbm4b:s2+s6], $0x80, s3, s6, $0xb8;
	[tilespmem:$0x2880] =	vst v63  }
0x19: {  	_ =	swait.ge [sflag:s8], $0x2800  }
.Ltmp1:
0x1a: {  	[sflag:s8] =	ssyncset.done $0x0;
	(pc) =	sbr.rel @p0 .LBB2_1-.Ltmp1, $4  }
0x1b: {  	[sflag:s8] =	ssyncadd.s32 $0xFFFFD800  }
0x1c: {  	[hbm4b:s9+s3] =	stream.linear.scatter [tilespmem:s7], [sflag:$0x2], $0x2800, $0x38;
	[tilespmem:$0x2880] =	vst v63  }
0x1d: {  	_ =	swait.ge [sflag:s4], $0x2800  }
0x1e: {  	[sflag:s4] =	ssyncset.done $0x0  }
.LBB2_2:
0x1f: {  	[sflag:s4] =	ssyncadd.s32 $0xFFFFD800  }
0x20: {  	_ =	sfence.sel $0x180000  }
0x21: {  	[bflag:$0x0] =	sbarrier.arrive $0xFFFF  }
0x22: {  	p0 =	sne.s32 s0, $0x0;
	_ =	strace $0x90000047  }
0x23: {  	s0 =	sadd.s32 @!p0 $0x100000, s1;
	[bflag:$0x2] =	sbarrier.arrive $0xFFFF  }
0x24: {  	[sflag:s0] =	ssyncadd.tile.s32 @!p0 $0x1;
	_ =	shalt  }
.Lfunc_end2:
_tile_overlayer_lowered:
.L_overlay_start_2:
0x25: {  	(tag) =	ssettag $0x2  }
0x26: {  	s0 =	rddreg [dreg:$0x0];
	s2 =	stileid.u32  }
0x27: {  	s1 =	rddreg [dreg:$0x1];
	p0 =	sne.s32 s2, $0x0  }
0x28: {  	s3 =	rddreg [dreg:$0x2];
	[bflag:$0x3] =	sbarrier.arrive $0xFFFF;
	s2 =	simm.s32 @!p0 $0x1C02  }
0x29: {  	[timem:s3], [sflag:s2] =	dma.local @!p0 [hbm:s0], s1  }
0x2a: {  	s0 =	simm.s32 @!p0 $0x2  }
0x2b: {  	_ =	swait.ge @!p0 [sflag:s0], s1  }
0x2c: {  	s1 =	ssub.s32 @!p0 $0x0, s1;
	[sflag:s0] =	ssyncset.done @!p0 $0x0  }
0x2d: {  	[sflag:s0] =	ssyncadd.s32 @!p0 s1  }
0x2e: {  	[bflag:$0x3] =	sbarrier.arrive $0xFFFF  }
0x2f: {  	_ =	shalt  }

// kernel: sparse-core-data-format-call.cloned.1.call-start
scs
called_computation_lowered:
.L_overlay_start_0:
0x0: {  	s2 =	sld [smem:$0x3FD9]  }
0x1: {  	s3 =	sld [smem:$0x3FFE];
	_ =	sdelay $0x1  }
0x2: {  	s1 =	srdreg.scid  }
0x3: {  	s0 =	sand.u32 $0x1, s1  }
0x4: {  	s18 =	sshll.u32 s0, $0xA;
	s2 =	sadd.s32 s3, s2  }
0x5: {  	s2 =	sadd.s32 s2, s18  }
0x6: {  	[smem:$0x3FC5] =	sst s2  }
0x7: {  	_ = 	snop  }
0x8: {  	s2 =	sld [smem:$0x3FD0];
	(tm) =	ssettm $0x1  }
0x9: {  	s19 =	sld [smem:$0x3FFB];
	_ =	sdelay $0x3  }
0xa: {  	_ =	strace s19  }
0xb: {  	s3 =	sld [smem:$0x3FFC];
	_ =	sdelay $0x3  }
0xc: {  	_ =	strace s3  }
0xd: {  	s3 =	sld [smem:$0x3FFD];
	_ =	sdelay $0x3  }
0xe: {  	_ =	strace s3  }
0xf: {  	_ =	strace $0x8FFFFFFF  }
0x10: {  	s20 =	sld [smem:$0x3FDB];
	_ =	sdelay $0x1  }
0x11: {  	s4 =	simm.s32 $_scs_section_size  }
0x12: {  	s5 =	simm.s32 $_size__tile_overlayer_lowered;
	s6 =	simm.s32 $_tile_overlayer_lowered  }
0x13: {  	s23 =	simm.s32 $0x1BFF;
	s22 =	sshll.u32 s6, $0x1;
	s3 =	sadd.s32 s4, s20  }
0x14: {  	s7 =	simm.s32 $0x0;
	s21 =	sshll.u32 s5, $0x1;
	s5 =	sadd.s32 s22, s3  }
0x15: {  	[timem:s7], [sflag:s23] =	dma.local [hbm:s5], s21  }
0x16: {  	_ =	swait.ge [sflag:s23], s21  }
0x17: {  	s4 =	ssub.s32 $0x0, s21;
	[sflag:s23] =	ssyncset.done $0x0  }
0x18: {  	[sflag:s23] =	ssyncadd.s32 s4;
	_ =	sdelay $0x1  }
0x19: {  	s24 =	simm.s32 $0x1B8B  }
0x1a: {  	_ =	swait.ge [sflag:s24], $0x1  }
0x1b: {  	[sflag:s24] =	ssyncset.done $0x0  }
0x1c: {  	s26 =	simm.s32 $0x1B8E;
	s25 =	sld [smem:$0x3FFE];
	[sflag:s24] =	ssyncadd.s32 $0xFFFFFFFF  }
0x1d: {  	s27 =	simm.s32 $execute0_lowered;
	[smem:$0x3FD2] =	sst s26  }
0x1e: {  	s5 =	sshll.u32 s27, $0x1;
	_ =	strace $0x80000049;
	[dreg:$0x1] =	wrdreg $0xFFFFFFFF  }
0x1f: {  	s28 =	simm.s32 $_size_execute0_lowered;
	s3 =	sadd.s32 s3, s5;
	[dreg:$0x0] =	wrdreg $0x0  }
0x20: {  	s5 =	sshll.u32 s28, $0x1;
	[dreg:$0x2] =	wrdreg s3  }
0x21: {  	[dreg:$0x3] =	wrdreg s5  }
0x22: {  	[dreg:$0x4] =	wrdreg $0xC0  }
0x23: {  	_ =	task [dreg:s7], $0x5FFFF  }
0x24: {  	[dreg:$0x1] =	wrdreg $0xFFFFFFFF  }
0x25: {  	[dreg:$0x0] =	wrdreg $0x60  }
0x26: {  	[dreg:$0x2] =	wrdreg s25  }
0x27: {  	[dreg:$0x3] =	wrdreg s2  }
0x28: {  	[dreg:$0x4] =	wrdreg $0x9  }
0x29: {  	_ =	task.clear_ibuf [dreg:s7], $0x5FFFF;
	_ =	strace $0x90000049  }
0x2a: {  	s29 =	simm.s32 $0x9;
	_ =	strace $0x8000004B  }
0x2b: {  	_ =	swait.ge [sflag:s29], $0x1  }
0x2c: {  	[sflag:s29] =	ssyncadd.s32 $0xFFFFFFFF  }
0x2d: {  	_ =	strace $0x9000004B  }
0x2e: {  	_ =	sfence  }
0x2f: {  	s30 =	sld [smem:$0x0];
	_ =	sdelay $0x2  }
0x30: {  	s31 =	sshll.u32 s1, $0xD;
	s1 =	sshrl.u32 s1, $0x2  }
0x31: {  	s3 =	sand.u32 $0x4000, s31;
	s1 =	sadd.s32 s1, s30  }
0x32: {  	s0 =	sor.u32 s3, s0;
	s1 =	sshll.u32 s1, $0x11  }
0x33: {  	s0 =	sor.u32 s1, s0  }
0x34: {  	s0 =	sadd.s32 $0x8F2B, s0  }
0x35: {  	[sflag:s0] =	ssyncadd.remote.s32 $0x1  }
0x36: {  	_ =	sfence.sel $0xFFFF  }
0x37: {  	[dreg:$0x0] =	wrdreg $0xFFFFFFFF;
	(pc) =	sbr.abs _section_cstart, $3  }
0x38: {  	[dreg:$0x1] =	wrdreg $0xFFFFFFFF  }
0x39: {  	_ =	task.clear_ibuf [dreg:s7], $0x2FFFF;
	_ =	strace $0x9FFFFFFF  }
0x3a: {  	(tm) =	ssettm $0x7FFFFFFF  }
0x3b: {  	_ =	shalt  }
tec
execute0_lowered:
.L_overlay_start_1:
0x0: {  	(tag) =	ssettag $0x1  }
0x1: {  	s1 =	srdreg.scid;
	s8 =	rddreg [dreg:$0x0]  }
0x2: {  	s0 =	stileid.u32;
	s3 =	rddreg [dreg:$0x1];
	s1 =	sshll.u32 s1, $0x4  }
0x3: {  	s7 =	simm.s32 $0x0;
	s5 =	simm.s32 $0x1;
	s1 =	sor.u32 s0, s1  }
0x4: {  	s9 =	simm.s32 $0x2;
	s15 =	simm.s32 $0x0;
	s1 =	sshrl.u32 s1, $0x1  }
0x5: {  	s10 =	simm.s32 $0x4000;
	s16 =	simm.s32 $0x0;
	s2 =	sand.u32 $0xE, s1  }
0x6: {  	s17 =	simm.s32 $0x0;
	s11 =	simm.s32 $0x0;
	s6 =	ssub.s32 $0x10, s2  }
0x7: {  	s14 =	simm.s32 $0x0;
	s1 =	rddreg [dreg:$0x2];
	s4 =	sand.u32 $0xE, s6  }
.Ltmp0:
0x8: {  	_ =	strace $0x8000004A;
	p0 =	seq.s32 s4, $0x0;
	(pc) =	sbr.rel .LBB1_1-.Ltmp0, $4  }
0x9: {  	[sflag:s5] =	ssyncpa.u1 $0x0;
	s12 =	smov.u32 s2;
	s7 =	simm.s32 @!p0 $0x10  }
0xa: {  	[sflag:s9] =	ssyncpa.u1 $0x0;
	s4 =	sadd.s32 $0x20BE00, s8;
	s7 =	sadd.s32 s6, s7  }
0xb: {  	s8 =	sadd.s32 $0x213E00, s8;
	s6 =	sand.u32 $0x3, s0;
	s7 =	sand.u32 $0x30, s7  }
0xc: {  	p0 =	por $0x0, $0x0;
	s13 =	smov.u32 s6;
	s9 =	sor.u32 $0x1, s7  }
.LBB1_7:
0xd: {  	s18 =	sadd.s32 $0x80, s11  }
0xe: {  	s15 =	sadd.s32 $0x10, s12;
	s19 =	smov.u32 s12;
	p2 =	sgt.s32 s18, $0x7FF  }
0xf: {  	s19 =	smov.u32 @p2 s15  }
0x10: {  	s21 =	smov.u32 s13;
	s15 =	sadd.s32 $0x4, s13;
	p3 =	sgt.s32 s19, $0xF  }
0x11: {  	s21 =	smov.u32 @p3 s15  }
0x12: {  	s18 =	simm.s32 @p2 $0x0;
	p2 =	sgt.s32 s21, $0x3  }
0x13: {  	p1 =	slt.u32 s14, $0x2;
	s21 =	smov.u32 @p2 s6;
	p2 =	sne.s32 s14, s9  }
.Ltmp1:
0x14: {  	s20 =	simm.s32 @!p1 $0x2;
	(pc) =	sbr.rel @!p2 .LBB1_8-.Ltmp1, $4  }
0x15: {  	s16 =	smov.u32 s12;
	s17 =	smov.u32 s13;
	_ =	swait.ge @!p1 [sflag:s20], $0x4000  }
0x16: {  	p0 =	por !p0, !p0;
	[sflag:s20] =	ssyncset.done @!p1 $0x0;
	s19 =	smov.u32 @p3 s2  }
0x17: {  	s15 =	smov.u32 s11;
	[sflag:s20] =	ssyncadd.s32 @!p1 $0xFFFFC000;
	s11 =	smov.u32 s18  }
0x18: {  	s12 =	smov.u32 s19;
	s14 =	sadd.s32 $0x1, s14;
	s13 =	smov.u32 s21  }
.LBB1_1:
0x19: {  	p1 =	sge.u32 s14, s7  }
0x1a: {  	s18 =	sxor.u32 @!p1 $0xFFFFFFFF, s14;
	s19 =	sshll.u32 @!p1 s13, $0x13  }
0x1b: {  	s20 =	sshll.u32 @!p1 s12, $0xF;
	s22 =	sshll.u32 @!p1 s11, $0x4;
	s23 =	simm.s32 @!p1 $0x40  }
0x1c: {  	s24 =	simm.s32 @!p1 $0x80;
	s18 =	sshll.u32 @!p1 s18, $0xE;
	s21 =	sadd.s32 @!p1 s19, s20  }
0x1d: {  	s22 =	sand.u32 @!p1 $0x7FF0, s22;
	s19 =	sadd.s32 @!p1 s19, s8;
	s21 =	sadd.s32 @!p1 s4, s21  }
0x1e: {  	s18 =	sand.u32 @!p1 $0x4000, s18;
	s19 =	sadd.s32 @!p1 s20, s19;
	s21 =	sadd.s32 @!p1 s22, s21  }
0x1f: {  	[tilespmem:s18], [sflag:$0x1] =	stream.strided.gather @!p1 [hbm4b:s21+s23], $0x2000, s24, s23, $0x38;
	[tilespmem:$0x10100] =	vst v63  }
0x20: {  	s31 =	sadd.s32 $0xFFFFFFFF, s14;
	s19 =	sadd.s32 @!p1 s22, s19;
	s18 =	sor.u32 @!p1 $0x2000, s18  }
0x21: {  	[tilespmem:s18], [sflag:$0x1] =	stream.strided.gather @!p1 [hbm4b:s19+s23], $0x2000, s24, s23, $0x38;
	[tilespmem:$0x10100] =	vst v63  }
0x22: {  	p1 =	sge.u32 s31, s7  }
.Ltmp2:
0x23: {  	_ = 	snop;
	(pc) =	sbr.rel @p1 .LBB1_7-.Ltmp2, $1  }
0x24: {  	_ =	sdelay $0x3  }
0x25: {  	s18 =	simm.s32 $0x1;
	s20 =	sand.u32 $0x1, s14  }
0x26: {  	_ =	swait.ge [sflag:s5], $0x4000;
	s18 =	simm.s32 @!p0 $0x0;
	s20 =	smul.u32 $0x10200, s20  }
0x27: {  	p2 =	por $0x1, $0x1;
	[sflag:s5] =	ssyncset.done $0x0;
	s19 =	smul.u32 $0x10200, s18  }
0x28: {  	s21 =	sshll.u32 s18, $0x10;
	[sflag:s5] =	ssyncadd.s32 $0xFFFFC000;
	s30 =	sshrl.u32 s20, $0x2  }
0x29: {  	s31 =	sshrl.u32 s21, $0x2;
	s21 =	simm.s32 $0x0;
	s19 =	sshrl.u32 s19, $0x2  }
0x2a: {  	s18 =	sor.u32 $0x8000, s30;
	s20 =	sadd.s32 $0x20, s31;
	s19 =	sor.u32 $0x8000, s19  }
.LBB1_3:
0x2b: {  	s22 =	sshll.u32 s21, $0xD  }
0x2c: {  	s22 =	sand.u32 $0x3FFFE000, s22  }
0x2d: {  	s24 =	sadd.s32 s22, s20  }
0x2e: {  	s31 =	smul.u32 $0x8100, s21;
	v3 =	vld [tilespmem:s24+$0x10]  }
0x2f: {  	v1 =	vld [tilespmem:s24+$0xFFFFFFF0]  }
0x30: {  	s21 =	sshra.s32 s31, $0x2;
	v0 =	vld [tilespmem:s24+$0x0]  }
0x31: {  	s21 =	sadd.s32 s21, s19;
	v2 =	vld [tilespmem:s24+$0xFFFFFFE0]  }
0x32: {  	s22 =	sadd.s32 $0x0, s21  }
0x33: {  	p1 =	por p2, p2;
	s23 =	simm.s32 $0x4;
	s24 =	sadd.s32 $0x40, s24;
	[tilespmem:s22+$0x1830 ss:$0x81] =	vst.msk $0xffff, v3  }
.LBB1_4:
0x34: {  	v3 =	vld [tilespmem:s24+$0x10];
	p2 =	sne.s32 s23, $0x1FC;
	[tilespmem:s22+$0x810 ss:$0x81] =	vst.msk $0xffff, v1;
	s25 =	smov.u32 s23;
	s23 =	sadd.s32 $0x4, s23  }
.Ltmp3:
0x35: {  	v1 =	vld [tilespmem:s24+$0xFFFFFFF0];
	[tilespmem:s22+$0x1020 ss:$0x81] =	vst.msk $0xffff, v0;
	(pc) =	sbr.rel @p2 .LBB1_4-.Ltmp3, $4  }
0x36: {  	v0 =	vld [tilespmem:s24+$0x0];
	[tilespmem:s22+$0x0 ss:$0x81] =	vst.msk $0xffff, v2  }
0x37: {  	s22 =	sshra.s32 s25, $0x2;
	v2 =	vld [tilespmem:s24+$0xFFFFFFE0]  }
0x38: {  	s22 =	sadd.s32 s22, s21  }
0x39: {  	s24 =	sadd.s32 $0x40, s24;
	[tilespmem:s22+$0x1830 ss:$0x81] =	vst.msk $0xffff, v3  }
.Ltmp4:
0x3a: {  	(pc) =	sbr.rel @p1 .LBB1_3-.Ltmp4, $4  }
0x3b: {  	_ = 	snop  }
0x3c: {  	[tilespmem:s22+$0x810 ss:$0x81] =	vst.msk $0xffff, v1  }
0x3d: {  	[tilespmem:s22+$0x1020 ss:$0x81] =	vst.msk $0xffff, v0  }
0x3e: {  	s21 =	simm.s32 $0x1;
	p2 =	por $0x0, $0x0;
	[tilespmem:s22+$0x0 ss:$0x81] =	vst.msk $0xffff, v2  }
0x3f: {  	s19 =	sshll.u32 s15, $0x3;
	s20 =	sand.u32 $0x78, s15  }
0x40: {  	s17 =	sshll.u32 s17, $0x12;
	s16 =	sshll.u32 s16, $0xE;
	s29 =	sand.u32 $0x3F00, s15  }
.Ltmp5:
0x41: {  	s19 =	sand.u32 $0x400, s19;
	s17 =	sadd.s32 s3, s17;
	(pc) =	sbr.rel .LBB1_7-.Ltmp5, $4  }
0x42: {  	s30 =	sand.u32 $0x7, s15;
	s19 =	sor.u32 s20, s19;
	s16 =	sadd.s32 s16, s17  }
0x43: {  	s15 =	sshll.u32 s30, $0x12;
	s31 =	sshrl.u32 s19, $0x3;
	s16 =	sadd.s32 s29, s16  }
0x44: {  	s15 =	sor.u32 $0x400, s15;
	s16 =	sadd.s32 s31, s16  }
0x45: {  	[hbm4b:s16+s15] =	stream.strided.scatter [tilespmem:s18], [sflag:$0x2], $0x4000, s10, s15, $0x20;
	[tilespmem:$0x10100] =	vst v63  }
.LBB1_8:
0x46: {  	_ =	sfence.sel $0x180000  }
0x47: {  	s2 =	simm.s32 $0x1;
	[bflag:$0x0] =	sbarrier.arrive $0xFFFF  }
0x48: {  	s31 =	simm.s32 $0x2;
	[sflag:s2] =	ssyncpa.u1 $0x1  }
0x49: {  	[sflag:s31] =	ssyncpa.u1 $0x1  }
0x4a: {  	p0 =	sne.s32 s0, $0x0;
	_ =	strace $0x9000004A  }
0x4b: {  	s0 =	sadd.s32 @!p0 $0x100000, s1;
	[bflag:$0x2] =	sbarrier.arrive $0xFFFF  }
0x4c: {  	[sflag:s0] =	ssyncadd.tile.s32 @!p0 $0x1;
	_ =	shalt  }
.Lfunc_end1:
_tile_overlayer_lowered:
.L_overlay_start_2:
0x4d: {  	(tag) =	ssettag $0x2  }
0x4e: {  	s0 =	rddreg [dreg:$0x0];
	s2 =	stileid.u32  }
0x4f: {  	s1 =	rddreg [dreg:$0x1];
	p0 =	sne.s32 s2, $0x0  }
0x50: {  	s3 =	rddreg [dreg:$0x2];
	[bflag:$0x3] =	sbarrier.arrive $0xFFFF;
	s2 =	simm.s32 @!p0 $0x1C01  }
0x51: {  	[timem:s3], [sflag:s2] =	dma.local @!p0 [hbm:s0], s1  }
0x52: {  	s0 =	simm.s32 @!p0 $0x1  }
0x53: {  	_ =	swait.ge @!p0 [sflag:s0], s1  }
0x54: {  	s1 =	ssub.s32 @!p0 $0x0, s1;
	[sflag:s0] =	ssyncset.done @!p0 $0x0  }
0x55: {  	[sflag:s0] =	ssyncadd.s32 @!p0 s1  }
0x56: {  	[bflag:$0x3] =	sbarrier.arrive $0xFFFF  }
0x57: {  	_ =	shalt  }

</sc_bundles>
